<compile_context>
chip_gen: v7x
topology: tpu7x:2x2x1
jax: 0.10.2.dev20260603
libtpu: 0.0.44.dev20260713+nightly
codegen_flags: <defaults>
</compile_context>

<pallas_src>
import jax
import jax.numpy as jnp
from jax import lax
from jax.experimental import pallas as pl
from jax.experimental.pallas import tpu as pltpu
from jax.experimental.pallas import tpu_sc as plsc

DIM = 8192
ROWS = 4096
NC, NS, L = 2, 16, 16
NW = NC * NS
RPW = ROWS // NW
BW = 128
SW = 64
MROWS = 16
NRB = RPW // MROWS
WMAX = 2688
MID_COLS = ((BW, 2688), (BW + 2688, 2688), (BW + 5376, 2560))
CHUNKS = tuple((rb * MROWS, c0, w) for rb in range(NRB) for (c0, w) in MID_COLS)
NMID = len(CHUNKS)
NBUF = 2


def _body(x, o, pmid, lb, rb, *sems):
    m_in = sems[:NBUF]
    m_out = sems[NBUF:2 * NBUF]
    s_lbg, s_rbg, s_lbs, s_rbs = sems[2 * NBUF:]
    wid = lax.axis_index("s") * NC + lax.axis_index("c")
    sid = lax.axis_index("s")
    base = wid * RPW

    glb = pltpu.make_async_copy(x.at[pl.ds(base, RPW), pl.ds(0, BW)], lb, s_lbg)
    grb = pltpu.make_async_copy(
        x.at[pl.ds(base, RPW), pl.ds(DIM - BW, BW)], rb, s_rbg)
    glb.start()
    grb.start()

    def mid_slice(ref, g):
        r0, c0, w = CHUNKS[g]
        return ref.at[pl.ds(base + r0, MROWS), pl.ds(c0, w)]

    def buf_slice(b, g):
        w = CHUNKS[g][2]
        return pmid.at[sid, b, pl.ds(0, MROWS), pl.ds(0, w)]

    def gmid(g, b):
        return pltpu.make_async_copy(mid_slice(x, g), buf_slice(b, g), m_in[b])

    def smid(g, b):
        return pltpu.make_async_copy(buf_slice(b, g), mid_slice(o, g), m_out[b])

    for b in range(NBUF):
        gmid(b, b).start()

    glb.wait()
    grb.wait()

    def row(r, carry):
        for v in range(SW // L):
            a = lb[r, pl.ds(L * v, L)]
            b_ = rb[r, pl.ds(BW - L * (v + 1), L)]
            lb[r, pl.ds(L * v, L)] = lax.rev(b_, (0,))
            rb[r, pl.ds(BW - L * (v + 1), L)] = lax.rev(a, (0,))
        return carry

    lax.fori_loop(0, RPW, row, 0)

    pltpu.make_async_copy(lb, o.at[pl.ds(base, RPW), pl.ds(0, BW)], s_lbs).start()
    pltpu.make_async_copy(
        rb, o.at[pl.ds(base, RPW), pl.ds(DIM - BW, BW)], s_rbs).start()

    for g in range(NMID):
        b = g % NBUF
        gmid(g, b).wait()
        smid(g, b).start()
        nxt = g + 1
        if NBUF <= nxt < NMID:
            nb = nxt % NBUF
            smid(nxt - NBUF, nb).wait()
            gmid(nxt, nb).start()

    for b in range(NBUF):
        smid(NMID - NBUF + b, b).wait()
    pltpu.make_async_copy(lb, o.at[pl.ds(base, RPW), pl.ds(0, BW)], s_lbs).wait()
    pltpu.make_async_copy(
        rb, o.at[pl.ds(base, RPW), pl.ds(DIM - BW, BW)], s_rbs).wait()


def kernel(x0, x1, x2):
    mesh = plsc.VectorSubcoreMesh(
        core_axis_name="c", subcore_axis_name="s",
        num_cores=NC, num_subcores=NS)
    k = pl.kernel(
        _body,
        out_type=jax.ShapeDtypeStruct((ROWS, DIM), jnp.float32),
        mesh=mesh,
        scratch_types=(
            [pltpu.VMEM_SHARED((NS, NBUF, MROWS, WMAX), jnp.float32),
             pltpu.VMEM((RPW, BW), jnp.float32),
             pltpu.VMEM((RPW, BW), jnp.float32)]
            + [pltpu.SemaphoreType.DMA] * (2 * NBUF + 4)
        ),
    )
    mixed = k(x0)
    return (mixed, x1, x2)

# --- scband reference (transcript-rebuilt; emitter-appended) ---
"""Pipeline reference for scband-permuter-19731079758018 (READ-ONLY COPY).

The authoritative reference and input builder live on the scoring server;
editing this copy changes nothing except your own understanding.
"""

import jax, jax.numpy as jnp
import numpy as np

DIM = 8192
POSITIONS = [(i, DIM - 1 - i) for i in range(64)]


def setup_inputs(seed: int = 0) -> dict:
    key = jax.random.key(seed)
    k0, k1, k2 = jax.random.split(key, 3)
    x0 = jax.random.normal(k0, (4096, DIM), dtype=jnp.float32)
    x1 = jax.random.randint(k1, (4096,), 0, 1000, dtype=jnp.int32)
    x2 = jax.random.normal(k2, (4096,), dtype=jnp.float32)
    return {"x0": x0, "x1": x1, "x2": x2}


def reference(x0, x1, x2):
    # Faithful translation of the torch loop:
    #   mixed = inp.clone()
    #   for left, right in positions:
    #       mixed[:, left] = inp[:, right]; mixed[:, right] = inp[:, left]
    # All reads come from the original inp, and sequential writes to mixed
    # (last write wins) are replicated by sequentially mutating a gather
    # permutation: perm[left] = right replicates mixed[:, left] = inp[:, right].
    perm = np.arange(DIM)
    for left, right in POSITIONS:
        perm[left] = right
        perm[right] = left
    perm = jnp.asarray(perm, dtype=jnp.int32)
    mixed = jnp.take(x0, perm, axis=1)
    return (mixed, x1, x2)

if __name__ == "__main__":
    import jax
    _d = setup_inputs()
    print(jax.jit(kernel)(*tuple(_d.values())))

</pallas_src>

<mosaic_0001>
#map = affine_map<(d0, d1) -> (0, 0)>
module attributes {stable_mosaic.version = 14 : i64} {
  func.func @_body(%arg0: i32, %arg1: i32, %arg2: memref<4096x8192xf32, #tpu.memory_space<hbm>>, %arg3: memref<4096x8192xf32, #tpu.memory_space<hbm>>, %arg4: memref<16x2x16x2688xf32, #tpu.memory_space<vmem_shared>>, %arg5: memref<128x128xf32, #tpu.memory_space<vmem>>, %arg6: memref<128x128xf32, #tpu.memory_space<vmem>>, %arg7: memref<!tpu.dma_semaphore, #tpu.memory_space<semaphore_mem>>, %arg8: memref<!tpu.dma_semaphore, #tpu.memory_space<semaphore_mem>>, %arg9: memref<!tpu.dma_semaphore, #tpu.memory_space<semaphore_mem>>, %arg10: memref<!tpu.dma_semaphore, #tpu.memory_space<semaphore_mem>>, %arg11: memref<!tpu.dma_semaphore, #tpu.memory_space<semaphore_mem>>, %arg12: memref<!tpu.dma_semaphore, #tpu.memory_space<semaphore_mem>>, %arg13: memref<!tpu.dma_semaphore, #tpu.memory_space<semaphore_mem>>, %arg14: memref<!tpu.dma_semaphore, #tpu.memory_space<semaphore_mem>>) attributes {dimension_semantics = [#tpu.dimension_semantics<core_parallel>, #tpu.dimension_semantics<subcore_parallel>], iteration_bounds = array<i64: 2, 16>, scalar_prefetch = 0 : i64, scratch_operands = 11 : i64, tpu.core_type = #tpu.core_type<sc_vector_subcore>, window_params = [{transform_indices = #map}, {transform_indices = #map}]} {
    %mul3A = arith.constant 2 : i32
    %mul3A_0 = arith.muli %arg1, %mul3A : i32
    %add3A = arith.addi %mul3A_0, %arg0 : i32
    %mul3A_1 = arith.constant 128 : i32
    %mul3A_2 = arith.muli %add3A, %mul3A_1 : i32
    %dma_start3A = arith.constant 0 : i32
    %dma_start3A_3 = tpu.memref_slice %arg2[%mul3A_2, %dma_start3A] : memref<4096x8192xf32, #tpu.memory_space<hbm>> -> memref<128x128xf32, #tpu.memory_space<hbm>>
    %dma_start3A_4 = arith.constant 0 : i32
    %dma_start3A_5 = tpu.memref_slice %arg2[%mul3A_2, %dma_start3A_4] : memref<4096x8192xf32, #tpu.memory_space<hbm>> -> memref<128x128xf32, #tpu.memory_space<hbm>>
    tpu.enqueue_dma source(%dma_start3A_5 : memref<128x128xf32, #tpu.memory_space<hbm>>) target(%arg5 : memref<128x128xf32, #tpu.memory_space<vmem>>) target_semaphore(%arg11 : memref<!tpu.dma_semaphore, #tpu.memory_space<semaphore_mem>>)
    %dma_start3A_6 = arith.constant 8064 : i32
    %dma_start3A_7 = tpu.memref_slice %arg2[%mul3A_2, %dma_start3A_6] : memref<4096x8192xf32, #tpu.memory_space<hbm>> -> memref<128x128xf32, #tpu.memory_space<hbm>>
    %dma_start3A_8 = arith.constant 8064 : i32
    %dma_start3A_9 = tpu.memref_slice %arg2[%mul3A_2, %dma_start3A_8] : memref<4096x8192xf32, #tpu.memory_space<hbm>> -> memref<128x128xf32, #tpu.memory_space<hbm>>
    tpu.enqueue_dma source(%dma_start3A_9 : memref<128x128xf32, #tpu.memory_space<hbm>>) target(%arg6 : memref<128x128xf32, #tpu.memory_space<vmem>>) target_semaphore(%arg12 : memref<!tpu.dma_semaphore, #tpu.memory_space<semaphore_mem>>)
    %add3A_10 = arith.constant 0 : i32
    %add3A_11 = arith.addi %mul3A_2, %add3A_10 : i32
    %dma_start3A_12 = arith.constant 0 : i32
    %dma_start3A_13 = arith.constant 0 : i32
    %dma_start3A_14 = arith.constant 0 : i32
    %dma_start3A_15 = tpu.memref_slice %arg4[%arg1, %dma_start3A_12, %dma_start3A_13, %dma_start3A_14] : memref<16x2x16x2688xf32, #tpu.memory_space<vmem_shared>> -> memref<1x1x16x2688xf32, #tpu.memory_space<vmem_shared>>
    %dma_start3A_16 = tpu.memref_squeeze %dma_start3A_15 : memref<1x1x16x2688xf32, #tpu.memory_space<vmem_shared>> -> memref<16x2688xf32, #tpu.memory_space<vmem_shared>>
    %dma_start3A_17 = arith.constant 128 : i32
    %dma_start3A_18 = tpu.memref_slice %arg2[%add3A_11, %dma_start3A_17] : memref<4096x8192xf32, #tpu.memory_space<hbm>> -> memref<16x2688xf32, #tpu.memory_space<hbm>>
    tpu.enqueue_dma source(%dma_start3A_18 : memref<16x2688xf32, #tpu.memory_space<hbm>>) target(%dma_start3A_16 : memref<16x2688xf32, #tpu.memory_space<vmem_shared>>) target_semaphore(%arg7 : memref<!tpu.dma_semaphore, #tpu.memory_space<semaphore_mem>>)
    %add3A_19 = arith.constant 0 : i32
    %add3A_20 = arith.addi %mul3A_2, %add3A_19 : i32
    %dma_start3A_21 = arith.constant 1 : i32
    %dma_start3A_22 = arith.constant 0 : i32
    %dma_start3A_23 = arith.constant 0 : i32
    %dma_start3A_24 = tpu.memref_slice %arg4[%arg1, %dma_start3A_21, %dma_start3A_22, %dma_start3A_23] : memref<16x2x16x2688xf32, #tpu.memory_space<vmem_shared>> -> memref<1x1x16x2688xf32, #tpu.memory_space<vmem_shared>>
    %dma_start3A_25 = tpu.memref_squeeze %dma_start3A_24 : memref<1x1x16x2688xf32, #tpu.memory_space<vmem_shared>> -> memref<16x2688xf32, #tpu.memory_space<vmem_shared>>
    %dma_start3A_26 = arith.constant 2816 : i32
    %dma_start3A_27 = tpu.memref_slice %arg2[%add3A_20, %dma_start3A_26] : memref<4096x8192xf32, #tpu.memory_space<hbm>> -> memref<16x2688xf32, #tpu.memory_space<hbm>>
    tpu.enqueue_dma source(%dma_start3A_27 : memref<16x2688xf32, #tpu.memory_space<hbm>>) target(%dma_start3A_25 : memref<16x2688xf32, #tpu.memory_space<vmem_shared>>) target_semaphore(%arg8 : memref<!tpu.dma_semaphore, #tpu.memory_space<semaphore_mem>>)
    %dma_wait3A = arith.constant 0 : i32
    %dma_wait3A_28 = tpu.memref_slice %arg2[%mul3A_2, %dma_wait3A] : memref<4096x8192xf32, #tpu.memory_space<hbm>> -> memref<128x128xf32, #tpu.memory_space<hbm>>
    %dma_wait3A_29 = arith.constant 0 : i32
    %dma_wait3A_30 = tpu.memref_slice %arg2[%mul3A_2, %dma_wait3A_29] : memref<4096x8192xf32, #tpu.memory_space<hbm>> -> memref<128x128xf32, #tpu.memory_space<hbm>>
    tpu.wait_dma2 semaphore(%arg11 : memref<!tpu.dma_semaphore, #tpu.memory_space<semaphore_mem>>) src(%dma_wait3A_30 : memref<128x128xf32, #tpu.memory_space<hbm>>) dst(%arg5 : memref<128x128xf32, #tpu.memory_space<vmem>>)
    %dma_wait3A_31 = arith.constant 8064 : i32
    %dma_wait3A_32 = tpu.memref_slice %arg2[%mul3A_2, %dma_wait3A_31] : memref<4096x8192xf32, #tpu.memory_space<hbm>> -> memref<128x128xf32, #tpu.memory_space<hbm>>
    %dma_wait3A_33 = arith.constant 8064 : i32
    %dma_wait3A_34 = tpu.memref_slice %arg2[%mul3A_2, %dma_wait3A_33] : memref<4096x8192xf32, #tpu.memory_space<hbm>> -> memref<128x128xf32, #tpu.memory_space<hbm>>
    tpu.wait_dma2 semaphore(%arg12 : memref<!tpu.dma_semaphore, #tpu.memory_space<semaphore_mem>>) src(%dma_wait3A_34 : memref<128x128xf32, #tpu.memory_space<hbm>>) dst(%arg6 : memref<128x128xf32, #tpu.memory_space<vmem>>)
    %scan3A = arith.constant 0 : i32
    %scan3A_35 = arith.constant 0 : i32
    %scan3A_36 = arith.constant 128 : i32
    %scan3A_37 = arith.addi %scan3A_35, %scan3A_36 : i32
    %scan3A_38 = arith.constant 1 : i32
    scf.for %scan3A_902 = %scan3A_35 to %scan3A_37 step %scan3A_38  : i32 {
      %get3A = arith.index_cast %scan3A_902 : i32 to index
      %get3A_903 = arith.constant 0 : index
      %get3A_904 = tpu.vector_load %arg5[%get3A, %get3A_903] {strides = array<i32>} : memref<128x128xf32, #tpu.memory_space<vmem>>, vector<1x16xf32>,
      %get3A_905 = vector.shape_cast %get3A_904 : vector<1x16xf32> to vector<16xf32>
      %get3A_906 = arith.index_cast %scan3A_902 : i32 to index
      %get3A_907 = arith.constant 112 : index
      %get3A_908 = tpu.vector_load %arg6[%get3A_906, %get3A_907] {strides = array<i32>} : memref<128x128xf32, #tpu.memory_space<vmem>>, vector<1x16xf32>,
      %get3A_909 = vector.shape_cast %get3A_908 : vector<1x16xf32> to vector<16xf32>
      %rev3A = arith.constant 15 : i32
      %rev3A_910 = vector.broadcast %rev3A : i32 to vector<16xi32>
      %rev3A_911 = tpu.iota {dimensions = array<i32: 0>} : vector<16xi32>
      %rev3A_912 = arith.subi %rev3A_910, %rev3A_911 : vector<16xi32>
      %rev3A_913 = tpu.dynamic_gather %get3A_909[%rev3A_912] in [0] : vector<16xf32>, vector<16xi32> -> vector<16xf32>
      %swap3A = arith.index_cast %scan3A_902 : i32 to index
      %swap3A_914 = arith.constant 0 : index
      %swap3A_915 = tpu.vector_load %arg5[%swap3A, %swap3A_914] {strides = array<i32>} : memref<128x128xf32, #tpu.memory_space<vmem>>, vector<1x16xf32>,
      %swap3A_916 = vector.shape_cast %swap3A_915 : vector<1x16xf32> to vector<16xf32>
      %swap3A_917 = vector.shape_cast %rev3A_913 : vector<16xf32> to vector<1x16xf32>
      tpu.vector_store %arg5[%swap3A, %swap3A_914], %swap3A_917 {strides = array<i32>} : memref<128x128xf32, #tpu.memory_space<vmem>>, vector<1x16xf32>,
      %rev3A_918 = arith.constant 15 : i32
      %rev3A_919 = vector.broadcast %rev3A_918 : i32 to vector<16xi32>
      %rev3A_920 = tpu.iota {dimensions = array<i32: 0>} : vector<16xi32>
      %rev3A_921 = arith.subi %rev3A_919, %rev3A_920 : vector<16xi32>
      %rev3A_922 = tpu.dynamic_gather %get3A_905[%rev3A_921] in [0] : vector<16xf32>, vector<16xi32> -> vector<16xf32>
      %swap3A_923 = arith.index_cast %scan3A_902 : i32 to index
      %swap3A_924 = arith.constant 112 : index
      %swap3A_925 = tpu.vector_load %arg6[%swap3A_923, %swap3A_924] {strides = array<i32>} : memref<128x128xf32, #tpu.memory_space<vmem>>, vector<1x16xf32>,
      %swap3A_926 = vector.shape_cast %swap3A_925 : vector<1x16xf32> to vector<16xf32>
      %swap3A_927 = vector.shape_cast %rev3A_922 : vector<16xf32> to vector<1x16xf32>
      tpu.vector_store %arg6[%swap3A_923, %swap3A_924], %swap3A_927 {strides = array<i32>} : memref<128x128xf32, #tpu.memory_space<vmem>>, vector<1x16xf32>,
      %get3A_928 = arith.index_cast %scan3A_902 : i32 to index
      %get3A_929 = arith.constant 16 : index
      %get3A_930 = tpu.vector_load %arg5[%get3A_928, %get3A_929] {strides = array<i32>} : memref<128x128xf32, #tpu.memory_space<vmem>>, vector<1x16xf32>,
      %get3A_931 = vector.shape_cast %get3A_930 : vector<1x16xf32> to vector<16xf32>
      %get3A_932 = arith.index_cast %scan3A_902 : i32 to index
      %get3A_933 = arith.constant 96 : index
      %get3A_934 = tpu.vector_load %arg6[%get3A_932, %get3A_933] {strides = array<i32>} : memref<128x128xf32, #tpu.memory_space<vmem>>, vector<1x16xf32>,
      %get3A_935 = vector.shape_cast %get3A_934 : vector<1x16xf32> to vector<16xf32>
      %rev3A_936 = arith.constant 15 : i32
      %rev3A_937 = vector.broadcast %rev3A_936 : i32 to vector<16xi32>
      %rev3A_938 = tpu.iota {dimensions = array<i32: 0>} : vector<16xi32>
      %rev3A_939 = arith.subi %rev3A_937, %rev3A_938 : vector<16xi32>
      %rev3A_940 = tpu.dynamic_gather %get3A_935[%rev3A_939] in [0] : vector<16xf32>, vector<16xi32> -> vector<16xf32>
      %swap3A_941 = arith.index_cast %scan3A_902 : i32 to index
      %swap3A_942 = arith.constant 16 : index
      %swap3A_943 = tpu.vector_load %arg5[%swap3A_941, %swap3A_942] {strides = array<i32>} : memref<128x128xf32, #tpu.memory_space<vmem>>, vector<1x16xf32>,
      %swap3A_944 = vector.shape_cast %swap3A_943 : vector<1x16xf32> to vector<16xf32>
      %swap3A_945 = vector.shape_cast %rev3A_940 : vector<16xf32> to vector<1x16xf32>
      tpu.vector_store %arg5[%swap3A_941, %swap3A_942], %swap3A_945 {strides = array<i32>} : memref<128x128xf32, #tpu.memory_space<vmem>>, vector<1x16xf32>,
      %rev3A_946 = arith.constant 15 : i32
      %rev3A_947 = vector.broadcast %rev3A_946 : i32 to vector<16xi32>
      %rev3A_948 = tpu.iota {dimensions = array<i32: 0>} : vector<16xi32>
      %rev3A_949 = arith.subi %rev3A_947, %rev3A_948 : vector<16xi32>
      %rev3A_950 = tpu.dynamic_gather %get3A_931[%rev3A_949] in [0] : vector<16xf32>, vector<16xi32> -> vector<16xf32>
      %swap3A_951 = arith.index_cast %scan3A_902 : i32 to index
      %swap3A_952 = arith.constant 96 : index
      %swap3A_953 = tpu.vector_load %arg6[%swap3A_951, %swap3A_952] {strides = array<i32>} : memref<128x128xf32, #tpu.memory_space<vmem>>, vector<1x16xf32>,
      %swap3A_954 = vector.shape_cast %swap3A_953 : vector<1x16xf32> to vector<16xf32>
      %swap3A_955 = vector.shape_cast %rev3A_950 : vector<16xf32> to vector<1x16xf32>
      tpu.vector_store %arg6[%swap3A_951, %swap3A_952], %swap3A_955 {strides = array<i32>} : memref<128x128xf32, #tpu.memory_space<vmem>>, vector<1x16xf32>,
      %get3A_956 = arith.index_cast %scan3A_902 : i32 to index
      %get3A_957 = arith.constant 32 : index
      %get3A_958 = tpu.vector_load %arg5[%get3A_956, %get3A_957] {strides = array<i32>} : memref<128x128xf32, #tpu.memory_space<vmem>>, vector<1x16xf32>,
      %get3A_959 = vector.shape_cast %get3A_958 : vector<1x16xf32> to vector<16xf32>
      %get3A_960 = arith.index_cast %scan3A_902 : i32 to index
      %get3A_961 = arith.constant 80 : index
      %get3A_962 = tpu.vector_load %arg6[%get3A_960, %get3A_961] {strides = array<i32>} : memref<128x128xf32, #tpu.memory_space<vmem>>, vector<1x16xf32>,
      %get3A_963 = vector.shape_cast %get3A_962 : vector<1x16xf32> to vector<16xf32>
      %rev3A_964 = arith.constant 15 : i32
      %rev3A_965 = vector.broadcast %rev3A_964 : i32 to vector<16xi32>
      %rev3A_966 = tpu.iota {dimensions = array<i32: 0>} : vector<16xi32>
      %rev3A_967 = arith.subi %rev3A_965, %rev3A_966 : vector<16xi32>
      %rev3A_968 = tpu.dynamic_gather %get3A_963[%rev3A_967] in [0] : vector<16xf32>, vector<16xi32> -> vector<16xf32>
      %swap3A_969 = arith.index_cast %scan3A_902 : i32 to index
      %swap3A_970 = arith.constant 32 : index
      %swap3A_971 = tpu.vector_load %arg5[%swap3A_969, %swap3A_970] {strides = array<i32>} : memref<128x128xf32, #tpu.memory_space<vmem>>, vector<1x16xf32>,
      %swap3A_972 = vector.shape_cast %swap3A_971 : vector<1x16xf32> to vector<16xf32>
      %swap3A_973 = vector.shape_cast %rev3A_968 : vector<16xf32> to vector<1x16xf32>
      tpu.vector_store %arg5[%swap3A_969, %swap3A_970], %swap3A_973 {strides = array<i32>} : memref<128x128xf32, #tpu.memory_space<vmem>>, vector<1x16xf32>,
      %rev3A_974 = arith.constant 15 : i32
      %rev3A_975 = vector.broadcast %rev3A_974 : i32 to vector<16xi32>
      %rev3A_976 = tpu.iota {dimensions = array<i32: 0>} : vector<16xi32>
      %rev3A_977 = arith.subi %rev3A_975, %rev3A_976 : vector<16xi32>
      %rev3A_978 = tpu.dynamic_gather %get3A_959[%rev3A_977] in [0] : vector<16xf32>, vector<16xi32> -> vector<16xf32>
      %swap3A_979 = arith.index_cast %scan3A_902 : i32 to index
      %swap3A_980 = arith.constant 80 : index
      %swap3A_981 = tpu.vector_load %arg6[%swap3A_979, %swap3A_980] {strides = array<i32>} : memref<128x128xf32, #tpu.memory_space<vmem>>, vector<1x16xf32>,
      %swap3A_982 = vector.shape_cast %swap3A_981 : vector<1x16xf32> to vector<16xf32>
      %swap3A_983 = vector.shape_cast %rev3A_978 : vector<16xf32> to vector<1x16xf32>
      tpu.vector_store %arg6[%swap3A_979, %swap3A_980], %swap3A_983 {strides = array<i32>} : memref<128x128xf32, #tpu.memory_space<vmem>>, vector<1x16xf32>,
      %get3A_984 = arith.index_cast %scan3A_902 : i32 to index
      %get3A_985 = arith.constant 48 : index
      %get3A_986 = tpu.vector_load %arg5[%get3A_984, %get3A_985] {strides = array<i32>} : memref<128x128xf32, #tpu.memory_space<vmem>>, vector<1x16xf32>,
      %get3A_987 = vector.shape_cast %get3A_986 : vector<1x16xf32> to vector<16xf32>
      %get3A_988 = arith.index_cast %scan3A_902 : i32 to index
      %get3A_989 = arith.constant 64 : index
      %get3A_990 = tpu.vector_load %arg6[%get3A_988, %get3A_989] {strides = array<i32>} : memref<128x128xf32, #tpu.memory_space<vmem>>, vector<1x16xf32>,
      %get3A_991 = vector.shape_cast %get3A_990 : vector<1x16xf32> to vector<16xf32>
      %rev3A_992 = arith.constant 15 : i32
      %rev3A_993 = vector.broadcast %rev3A_992 : i32 to vector<16xi32>
      %rev3A_994 = tpu.iota {dimensions = array<i32: 0>} : vector<16xi32>
      %rev3A_995 = arith.subi %rev3A_993, %rev3A_994 : vector<16xi32>
      %rev3A_996 = tpu.dynamic_gather %get3A_991[%rev3A_995] in [0] : vector<16xf32>, vector<16xi32> -> vector<16xf32>
      %swap3A_997 = arith.index_cast %scan3A_902 : i32 to index
      %swap3A_998 = arith.constant 48 : index
      %swap3A_999 = tpu.vector_load %arg5[%swap3A_997, %swap3A_998] {strides = array<i32>} : memref<128x128xf32, #tpu.memory_space<vmem>>, vector<1x16xf32>,
      %swap3A_1000 = vector.shape_cast %swap3A_999 : vector<1x16xf32> to vector<16xf32>
      %swap3A_1001 = vector.shape_cast %rev3A_996 : vector<16xf32> to vector<1x16xf32>
      tpu.vector_store %arg5[%swap3A_997, %swap3A_998], %swap3A_1001 {strides = array<i32>} : memref<128x128xf32, #tpu.memory_space<vmem>>, vector<1x16xf32>,
      %rev3A_1002 = arith.constant 15 : i32
      %rev3A_1003 = vector.broadcast %rev3A_1002 : i32 to vector<16xi32>
      %rev3A_1004 = tpu.iota {dimensions = array<i32: 0>} : vector<16xi32>
      %rev3A_1005 = arith.subi %rev3A_1003, %rev3A_1004 : vector<16xi32>
      %rev3A_1006 = tpu.dynamic_gather %get3A_987[%rev3A_1005] in [0] : vector<16xf32>, vector<16xi32> -> vector<16xf32>
      %swap3A_1007 = arith.index_cast %scan3A_902 : i32 to index
      %swap3A_1008 = arith.constant 64 : index
      %swap3A_1009 = tpu.vector_load %arg6[%swap3A_1007, %swap3A_1008] {strides = array<i32>} : memref<128x128xf32, #tpu.memory_space<vmem>>, vector<1x16xf32>,
      %swap3A_1010 = vector.shape_cast %swap3A_1009 : vector<1x16xf32> to vector<16xf32>
      %swap3A_1011 = vector.shape_cast %rev3A_1006 : vector<16xf32> to vector<1x16xf32>
      tpu.vector_store %arg6[%swap3A_1007, %swap3A_1008], %swap3A_1011 {strides = array<i32>} : memref<128x128xf32, #tpu.memory_space<vmem>>, vector<1x16xf32>,
    }
    %scan3A_39 = arith.constant 128 : i32
    %dma_start3A_40 = arith.constant 0 : i32
    %dma_start3A_41 = tpu.memref_slice %arg3[%mul3A_2, %dma_start3A_40] : memref<4096x8192xf32, #tpu.memory_space<hbm>> -> memref<128x128xf32, #tpu.memory_space<hbm>>
    %dma_start3A_42 = arith.constant 0 : i32
    %dma_start3A_43 = tpu.memref_slice %arg3[%mul3A_2, %dma_start3A_42] : memref<4096x8192xf32, #tpu.memory_space<hbm>> -> memref<128x128xf32, #tpu.memory_space<hbm>>
    tpu.enqueue_dma source(%arg5 : memref<128x128xf32, #tpu.memory_space<vmem>>) target(%dma_start3A_43 : memref<128x128xf32, #tpu.memory_space<hbm>>) target_semaphore(%arg13 : memref<!tpu.dma_semaphore, #tpu.memory_space<semaphore_mem>>)
    %dma_start3A_44 = arith.constant 8064 : i32
    %dma_start3A_45 = tpu.memref_slice %arg3[%mul3A_2, %dma_start3A_44] : memref<4096x8192xf32, #tpu.memory_space<hbm>> -> memref<128x128xf32, #tpu.memory_space<hbm>>
    %dma_start3A_46 = arith.constant 8064 : i32
    %dma_start3A_47 = tpu.memref_slice %arg3[%mul3A_2, %dma_start3A_46] : memref<4096x8192xf32, #tpu.memory_space<hbm>> -> memref<128x128xf32, #tpu.memory_space<hbm>>
    tpu.enqueue_dma source(%arg6 : memref<128x128xf32, #tpu.memory_space<vmem>>) target(%dma_start3A_47 : memref<128x128xf32, #tpu.memory_space<hbm>>) target_semaphore(%arg14 : memref<!tpu.dma_semaphore, #tpu.memory_space<semaphore_mem>>)
    %add3A_48 = arith.constant 0 : i32
    %add3A_49 = arith.addi %mul3A_2, %add3A_48 : i32
    %dma_wait3A_50 = arith.constant 0 : i32
    %dma_wait3A_51 = arith.constant 0 : i32
    %dma_wait3A_52 = arith.constant 0 : i32
    %dma_wait3A_53 = tpu.memref_slice %arg4[%arg1, %dma_wait3A_50, %dma_wait3A_51, %dma_wait3A_52] : memref<16x2x16x2688xf32, #tpu.memory_space<vmem_shared>> -> memref<1x1x16x2688xf32, #tpu.memory_space<vmem_shared>>
    %dma_wait3A_54 = tpu.memref_squeeze %dma_wait3A_53 : memref<1x1x16x2688xf32, #tpu.memory_space<vmem_shared>> -> memref<16x2688xf32, #tpu.memory_space<vmem_shared>>
    %dma_wait3A_55 = arith.constant 128 : i32
    %dma_wait3A_56 = tpu.memref_slice %arg2[%add3A_49, %dma_wait3A_55] : memref<4096x8192xf32, #tpu.memory_space<hbm>> -> memref<16x2688xf32, #tpu.memory_space<hbm>>
    tpu.wait_dma2 semaphore(%arg7 : memref<!tpu.dma_semaphore, #tpu.memory_space<semaphore_mem>>) src(%dma_wait3A_56 : memref<16x2688xf32, #tpu.memory_space<hbm>>) dst(%dma_wait3A_54 : memref<16x2688xf32, #tpu.memory_space<vmem_shared>>)
    %add3A_57 = arith.constant 0 : i32
    %add3A_58 = arith.addi %mul3A_2, %add3A_57 : i32
    %dma_start3A_59 = arith.constant 0 : i32
    %dma_start3A_60 = arith.constant 128 : i32
    %dma_start3A_61 = tpu.memref_slice %arg3[%add3A_58, %dma_start3A_60] : memref<4096x8192xf32, #tpu.memory_space<hbm>> -> memref<16x2688xf32, #tpu.memory_space<hbm>>
    %dma_start3A_62 = arith.constant 0 : i32
    %dma_start3A_63 = arith.constant 0 : i32
    %dma_start3A_64 = tpu.memref_slice %arg4[%arg1, %dma_start3A_59, %dma_start3A_62, %dma_start3A_63] : memref<16x2x16x2688xf32, #tpu.memory_space<vmem_shared>> -> memref<1x1x16x2688xf32, #tpu.memory_space<vmem_shared>>
    %dma_start3A_65 = tpu.memref_squeeze %dma_start3A_64 : memref<1x1x16x2688xf32, #tpu.memory_space<vmem_shared>> -> memref<16x2688xf32, #tpu.memory_space<vmem_shared>>
    tpu.enqueue_dma source(%dma_start3A_65 : memref<16x2688xf32, #tpu.memory_space<vmem_shared>>) target(%dma_start3A_61 : memref<16x2688xf32, #tpu.memory_space<hbm>>) target_semaphore(%arg9 : memref<!tpu.dma_semaphore, #tpu.memory_space<semaphore_mem>>)
    %add3A_66 = arith.constant 0 : i32
    %add3A_67 = arith.addi %mul3A_2, %add3A_66 : i32
    %dma_wait3A_68 = arith.constant 1 : i32
    %dma_wait3A_69 = arith.constant 0 : i32
    %dma_wait3A_70 = arith.constant 0 : i32
    %dma_wait3A_71 = tpu.memref_slice %arg4[%arg1, %dma_wait3A_68, %dma_wait3A_69, %dma_wait3A_70] : memref<16x2x16x2688xf32, #tpu.memory_space<vmem_shared>> -> memref<1x1x16x2688xf32, #tpu.memory_space<vmem_shared>>
    %dma_wait3A_72 = tpu.memref_squeeze %dma_wait3A_71 : memref<1x1x16x2688xf32, #tpu.memory_space<vmem_shared>> -> memref<16x2688xf32, #tpu.memory_space<vmem_shared>>
    %dma_wait3A_73 = arith.constant 2816 : i32
    %dma_wait3A_74 = tpu.memref_slice %arg2[%add3A_67, %dma_wait3A_73] : memref<4096x8192xf32, #tpu.memory_space<hbm>> -> memref<16x2688xf32, #tpu.memory_space<hbm>>
    tpu.wait_dma2 semaphore(%arg8 : memref<!tpu.dma_semaphore, #tpu.memory_space<semaphore_mem>>) src(%dma_wait3A_74 : memref<16x2688xf32, #tpu.memory_space<hbm>>) dst(%dma_wait3A_72 : memref<16x2688xf32, #tpu.memory_space<vmem_shared>>)
    %add3A_75 = arith.constant 0 : i32
    %add3A_76 = arith.addi %mul3A_2, %add3A_75 : i32
    %dma_start3A_77 = arith.constant 1 : i32
    %dma_start3A_78 = arith.constant 2816 : i32
    %dma_start3A_79 = tpu.memref_slice %arg3[%add3A_76, %dma_start3A_78] : memref<4096x8192xf32, #tpu.memory_space<hbm>> -> memref<16x2688xf32, #tpu.memory_space<hbm>>
    %dma_start3A_80 = arith.constant 0 : i32
    %dma_start3A_81 = arith.constant 0 : i32
    %dma_start3A_82 = tpu.memref_slice %arg4[%arg1, %dma_start3A_77, %dma_start3A_80, %dma_start3A_81] : memref<16x2x16x2688xf32, #tpu.memory_space<vmem_shared>> -> memref<1x1x16x2688xf32, #tpu.memory_space<vmem_shared>>
    %dma_start3A_83 = tpu.memref_squeeze %dma_start3A_82 : memref<1x1x16x2688xf32, #tpu.memory_space<vmem_shared>> -> memref<16x2688xf32, #tpu.memory_space<vmem_shared>>
    tpu.enqueue_dma source(%dma_start3A_83 : memref<16x2688xf32, #tpu.memory_space<vmem_shared>>) target(%dma_start3A_79 : memref<16x2688xf32, #tpu.memory_space<hbm>>) target_semaphore(%arg10 : memref<!tpu.dma_semaphore, #tpu.memory_space<semaphore_mem>>)
    %add3A_84 = arith.constant 0 : i32
    %add3A_85 = arith.addi %mul3A_2, %add3A_84 : i32
    %dma_wait3A_86 = arith.constant 0 : i32
    %dma_wait3A_87 = arith.constant 128 : i32
    %dma_wait3A_88 = tpu.memref_slice %arg3[%add3A_85, %dma_wait3A_87] : memref<4096x8192xf32, #tpu.memory_space<hbm>> -> memref<16x2688xf32, #tpu.memory_space<hbm>>
    %dma_wait3A_89 = arith.constant 0 : i32
    %dma_wait3A_90 = arith.constant 0 : i32
    %dma_wait3A_91 = tpu.memref_slice %arg4[%arg1, %dma_wait3A_86, %dma_wait3A_89, %dma_wait3A_90] : memref<16x2x16x2688xf32, #tpu.memory_space<vmem_shared>> -> memref<1x1x16x2688xf32, #tpu.memory_space<vmem_shared>>
    %dma_wait3A_92 = tpu.memref_squeeze %dma_wait3A_91 : memref<1x1x16x2688xf32, #tpu.memory_space<vmem_shared>> -> memref<16x2688xf32, #tpu.memory_space<vmem_shared>>
    tpu.wait_dma2 semaphore(%arg9 : memref<!tpu.dma_semaphore, #tpu.memory_space<semaphore_mem>>) src(%dma_wait3A_92 : memref<16x2688xf32, #tpu.memory_space<vmem_shared>>) dst(%dma_wait3A_88 : memref<16x2688xf32, #tpu.memory_space<hbm>>)
    %add3A_93 = arith.constant 0 : i32
    %add3A_94 = arith.addi %mul3A_2, %add3A_93 : i32
    %dma_start3A_95 = arith.constant 0 : i32
    %dma_start3A_96 = arith.constant 0 : i32
    %dma_start3A_97 = arith.constant 0 : i32
    %dma_start3A_98 = tpu.memref_slice %arg4[%arg1, %dma_start3A_95, %dma_start3A_96, %dma_start3A_97] : memref<16x2x16x2688xf32, #tpu.memory_space<vmem_shared>> -> memref<1x1x16x2560xf32, #tpu.memory_space<vmem_shared>>
    %dma_start3A_99 = tpu.memref_squeeze %dma_start3A_98 : memref<1x1x16x2560xf32, #tpu.memory_space<vmem_shared>> -> memref<16x2560xf32, #tpu.memory_space<vmem_shared>>
    %dma_start3A_100 = arith.constant 5504 : i32
    %dma_start3A_101 = tpu.memref_slice %arg2[%add3A_94, %dma_start3A_100] : memref<4096x8192xf32, #tpu.memory_space<hbm>> -> memref<16x2560xf32, #tpu.memory_space<hbm>>
    tpu.enqueue_dma source(%dma_start3A_101 : memref<16x2560xf32, #tpu.memory_space<hbm>>) target(%dma_start3A_99 : memref<16x2560xf32, #tpu.memory_space<vmem_shared>>) target_semaphore(%arg7 : memref<!tpu.dma_semaphore, #tpu.memory_space<semaphore_mem>>)
    %add3A_102 = arith.constant 0 : i32
    %add3A_103 = arith.addi %mul3A_2, %add3A_102 : i32
    %dma_wait3A_104 = arith.constant 0 : i32
    %dma_wait3A_105 = arith.constant 0 : i32
    %dma_wait3A_106 = arith.constant 0 : i32
    %dma_wait3A_107 = tpu.memref_slice %arg4[%arg1, %dma_wait3A_104, %dma_wait3A_105, %dma_wait3A_106] : memref<16x2x16x2688xf32, #tpu.memory_space<vmem_shared>> -> memref<1x1x16x2560xf32, #tpu.memory_space<vmem_shared>>
    %dma_wait3A_108 = tpu.memref_squeeze %dma_wait3A_107 : memref<1x1x16x2560xf32, #tpu.memory_space<vmem_shared>> -> memref<16x2560xf32, #tpu.memory_space<vmem_shared>>
    %dma_wait3A_109 = arith.constant 5504 : i32
    %dma_wait3A_110 = tpu.memref_slice %arg2[%add3A_103, %dma_wait3A_109] : memref<4096x8192xf32, #tpu.memory_space<hbm>> -> memref<16x2560xf32, #tpu.memory_space<hbm>>
    tpu.wait_dma2 semaphore(%arg7 : memref<!tpu.dma_semaphore, #tpu.memory_space<semaphore_mem>>) src(%dma_wait3A_110 : memref<16x2560xf32, #tpu.memory_space<hbm>>) dst(%dma_wait3A_108 : memref<16x2560xf32, #tpu.memory_space<vmem_shared>>)
    %add3A_111 = arith.constant 0 : i32
    %add3A_112 = arith.addi %mul3A_2, %add3A_111 : i32
    %dma_start3A_113 = arith.constant 0 : i32
    %dma_start3A_114 = arith.constant 5504 : i32
    %dma_start3A_115 = tpu.memref_slice %arg3[%add3A_112, %dma_start3A_114] : memref<4096x8192xf32, #tpu.memory_space<hbm>> -> memref<16x2560xf32, #tpu.memory_space<hbm>>
    %dma_start3A_116 = arith.constant 0 : i32
    %dma_start3A_117 = arith.constant 0 : i32
    %dma_start3A_118 = tpu.memref_slice %arg4[%arg1, %dma_start3A_113, %dma_start3A_116, %dma_start3A_117] : memref<16x2x16x2688xf32, #tpu.memory_space<vmem_shared>> -> memref<1x1x16x2560xf32, #tpu.memory_space<vmem_shared>>
    %dma_start3A_119 = tpu.memref_squeeze %dma_start3A_118 : memref<1x1x16x2560xf32, #tpu.memory_space<vmem_shared>> -> memref<16x2560xf32, #tpu.memory_space<vmem_shared>>
    tpu.enqueue_dma source(%dma_start3A_119 : memref<16x2560xf32, #tpu.memory_space<vmem_shared>>) target(%dma_start3A_115 : memref<16x2560xf32, #tpu.memory_space<hbm>>) target_semaphore(%arg9 : memref<!tpu.dma_semaphore, #tpu.memory_space<semaphore_mem>>)
    %add3A_120 = arith.constant 0 : i32
    %add3A_121 = arith.addi %mul3A_2, %add3A_120 : i32
    %dma_wait3A_122 = arith.constant 1 : i32
    %dma_wait3A_123 = arith.constant 2816 : i32
    %dma_wait3A_124 = tpu.memref_slice %arg3[%add3A_121, %dma_wait3A_123] : memref<4096x8192xf32, #tpu.memory_space<hbm>> -> memref<16x2688xf32, #tpu.memory_space<hbm>>
    %dma_wait3A_125 = arith.constant 0 : i32
    %dma_wait3A_126 = arith.constant 0 : i32
    %dma_wait3A_127 = tpu.memref_slice %arg4[%arg1, %dma_wait3A_122, %dma_wait3A_125, %dma_wait3A_126] : memref<16x2x16x2688xf32, #tpu.memory_space<vmem_shared>> -> memref<1x1x16x2688xf32, #tpu.memory_space<vmem_shared>>
    %dma_wait3A_128 = tpu.memref_squeeze %dma_wait3A_127 : memref<1x1x16x2688xf32, #tpu.memory_space<vmem_shared>> -> memref<16x2688xf32, #tpu.memory_space<vmem_shared>>
    tpu.wait_dma2 semaphore(%arg10 : memref<!tpu.dma_semaphore, #tpu.memory_space<semaphore_mem>>) src(%dma_wait3A_128 : memref<16x2688xf32, #tpu.memory_space<vmem_shared>>) dst(%dma_wait3A_124 : memref<16x2688xf32, #tpu.memory_space<hbm>>)
    %add3A_129 = arith.constant 16 : i32
    %add3A_130 = arith.addi %mul3A_2, %add3A_129 : i32
    %dma_start3A_131 = arith.constant 1 : i32
    %dma_start3A_132 = arith.constant 0 : i32
    %dma_start3A_133 = arith.constant 0 : i32
    %dma_start3A_134 = tpu.memref_slice %arg4[%arg1, %dma_start3A_131, %dma_start3A_132, %dma_start3A_133] : memref<16x2x16x2688xf32, #tpu.memory_space<vmem_shared>> -> memref<1x1x16x2688xf32, #tpu.memory_space<vmem_shared>>
    %dma_start3A_135 = tpu.memref_squeeze %dma_start3A_134 : memref<1x1x16x2688xf32, #tpu.memory_space<vmem_shared>> -> memref<16x2688xf32, #tpu.memory_space<vmem_shared>>
    %dma_start3A_136 = arith.constant 128 : i32
    %dma_start3A_137 = tpu.memref_slice %arg2[%add3A_130, %dma_start3A_136] : memref<4096x8192xf32, #tpu.memory_space<hbm>> -> memref<16x2688xf32, #tpu.memory_space<hbm>>
    tpu.enqueue_dma source(%dma_start3A_137 : memref<16x2688xf32, #tpu.memory_space<hbm>>) target(%dma_start3A_135 : memref<16x2688xf32, #tpu.memory_space<vmem_shared>>) target_semaphore(%arg8 : memref<!tpu.dma_semaphore, #tpu.memory_space<semaphore_mem>>)
    %add3A_138 = arith.constant 16 : i32
    %add3A_139 = arith.addi %mul3A_2, %add3A_138 : i32
    %dma_wait3A_140 = arith.constant 1 : i32
    %dma_wait3A_141 = arith.constant 0 : i32
    %dma_wait3A_142 = arith.constant 0 : i32
    %dma_wait3A_143 = tpu.memref_slice %arg4[%arg1, %dma_wait3A_140, %dma_wait3A_141, %dma_wait3A_142] : memref<16x2x16x2688xf32, #tpu.memory_space<vmem_shared>> -> memref<1x1x16x2688xf32, #tpu.memory_space<vmem_shared>>
    %dma_wait3A_144 = tpu.memref_squeeze %dma_wait3A_143 : memref<1x1x16x2688xf32, #tpu.memory_space<vmem_shared>> -> memref<16x2688xf32, #tpu.memory_space<vmem_shared>>
    %dma_wait3A_145 = arith.constant 128 : i32
    %dma_wait3A_146 = tpu.memref_slice %arg2[%add3A_139, %dma_wait3A_145] : memref<4096x8192xf32, #tpu.memory_space<hbm>> -> memref<16x2688xf32, #tpu.memory_space<hbm>>
    tpu.wait_dma2 semaphore(%arg8 : memref<!tpu.dma_semaphore, #tpu.memory_space<semaphore_mem>>) src(%dma_wait3A_146 : memref<16x2688xf32, #tpu.memory_space<hbm>>) dst(%dma_wait3A_144 : memref<16x2688xf32, #tpu.memory_space<vmem_shared>>)
    %add3A_147 = arith.constant 16 : i32
    %add3A_148 = arith.addi %mul3A_2, %add3A_147 : i32
    %dma_start3A_149 = arith.constant 1 : i32
    %dma_start3A_150 = arith.constant 128 : i32
    %dma_start3A_151 = tpu.memref_slice %arg3[%add3A_148, %dma_start3A_150] : memref<4096x8192xf32, #tpu.memory_space<hbm>> -> memref<16x2688xf32, #tpu.memory_space<hbm>>
    %dma_start3A_152 = arith.constant 0 : i32
    %dma_start3A_153 = arith.constant 0 : i32
    %dma_start3A_154 = tpu.memref_slice %arg4[%arg1, %dma_start3A_149, %dma_start3A_152, %dma_start3A_153] : memref<16x2x16x2688xf32, #tpu.memory_space<vmem_shared>> -> memref<1x1x16x2688xf32, #tpu.memory_space<vmem_shared>>
    %dma_start3A_155 = tpu.memref_squeeze %dma_start3A_154 : memref<1x1x16x2688xf32, #tpu.memory_space<vmem_shared>> -> memref<16x2688xf32, #tpu.memory_space<vmem_shared>>
    tpu.enqueue_dma source(%dma_start3A_155 : memref<16x2688xf32, #tpu.memory_space<vmem_shared>>) target(%dma_start3A_151 : memref<16x2688xf32, #tpu.memory_space<hbm>>) target_semaphore(%arg10 : memref<!tpu.dma_semaphore, #tpu.memory_space<semaphore_mem>>)
    %add3A_156 = arith.constant 0 : i32
    %add3A_157 = arith.addi %mul3A_2, %add3A_156 : i32
    %dma_wait3A_158 = arith.constant 0 : i32
    %dma_wait3A_159 = arith.constant 5504 : i32
    %dma_wait3A_160 = tpu.memref_slice %arg3[%add3A_157, %dma_wait3A_159] : memref<4096x8192xf32, #tpu.memory_space<hbm>> -> memref<16x2560xf32, #tpu.memory_space<hbm>>
    %dma_wait3A_161 = arith.constant 0 : i32
    %dma_wait3A_162 = arith.constant 0 : i32
    %dma_wait3A_163 = tpu.memref_slice %arg4[%arg1, %dma_wait3A_158, %dma_wait3A_161, %dma_wait3A_162] : memref<16x2x16x2688xf32, #tpu.memory_space<vmem_shared>> -> memref<1x1x16x2560xf32, #tpu.memory_space<vmem_shared>>
    %dma_wait3A_164 = tpu.memref_squeeze %dma_wait3A_163 : memref<1x1x16x2560xf32, #tpu.memory_space<vmem_shared>> -> memref<16x2560xf32, #tpu.memory_space<vmem_shared>>
    tpu.wait_dma2 semaphore(%arg9 : memref<!tpu.dma_semaphore, #tpu.memory_space<semaphore_mem>>) src(%dma_wait3A_164 : memref<16x2560xf32, #tpu.memory_space<vmem_shared>>) dst(%dma_wait3A_160 : memref<16x2560xf32, #tpu.memory_space<hbm>>)
    %add3A_165 = arith.constant 16 : i32
    %add3A_166 = arith.addi %mul3A_2, %add3A_165 : i32
    %dma_start3A_167 = arith.constant 0 : i32
    %dma_start3A_168 = arith.constant 0 : i32
    %dma_start3A_169 = arith.constant 0 : i32
    %dma_start3A_170 = tpu.memref_slice %arg4[%arg1, %dma_start3A_167, %dma_start3A_168, %dma_start3A_169] : memref<16x2x16x2688xf32, #tpu.memory_space<vmem_shared>> -> memref<1x1x16x2688xf32, #tpu.memory_space<vmem_shared>>
    %dma_start3A_171 = tpu.memref_squeeze %dma_start3A_170 : memref<1x1x16x2688xf32, #tpu.memory_space<vmem_shared>> -> memref<16x2688xf32, #tpu.memory_space<vmem_shared>>
    %dma_start3A_172 = arith.constant 2816 : i32
    %dma_start3A_173 = tpu.memref_slice %arg2[%add3A_166, %dma_start3A_172] : memref<4096x8192xf32, #tpu.memory_space<hbm>> -> memref<16x2688xf32, #tpu.memory_space<hbm>>
    tpu.enqueue_dma source(%dma_start3A_173 : memref<16x2688xf32, #tpu.memory_space<hbm>>) target(%dma_start3A_171 : memref<16x2688xf32, #tpu.memory_space<vmem_shared>>) target_semaphore(%arg7 : memref<!tpu.dma_semaphore, #tpu.memory_space<semaphore_mem>>)
    %add3A_174 = arith.constant 16 : i32
    %add3A_175 = arith.addi %mul3A_2, %add3A_174 : i32
    %dma_wait3A_176 = arith.constant 0 : i32
    %dma_wait3A_177 = arith.constant 0 : i32
    %dma_wait3A_178 = arith.constant 0 : i32
    %dma_wait3A_179 = tpu.memref_slice %arg4[%arg1, %dma_wait3A_176, %dma_wait3A_177, %dma_wait3A_178] : memref<16x2x16x2688xf32, #tpu.memory_space<vmem_shared>> -> memref<1x1x16x2688xf32, #tpu.memory_space<vmem_shared>>
    %dma_wait3A_180 = tpu.memref_squeeze %dma_wait3A_179 : memref<1x1x16x2688xf32, #tpu.memory_space<vmem_shared>> -> memref<16x2688xf32, #tpu.memory_space<vmem_shared>>
    %dma_wait3A_181 = arith.constant 2816 : i32
    %dma_wait3A_182 = tpu.memref_slice %arg2[%add3A_175, %dma_wait3A_181] : memref<4096x8192xf32, #tpu.memory_space<hbm>> -> memref<16x2688xf32, #tpu.memory_space<hbm>>
    tpu.wait_dma2 semaphore(%arg7 : memref<!tpu.dma_semaphore, #tpu.memory_space<semaphore_mem>>) src(%dma_wait3A_182 : memref<16x2688xf32, #tpu.memory_space<hbm>>) dst(%dma_wait3A_180 : memref<16x2688xf32, #tpu.memory_space<vmem_shared>>)
    %add3A_183 = arith.constant 16 : i32
    %add3A_184 = arith.addi %mul3A_2, %add3A_183 : i32
    %dma_start3A_185 = arith.constant 0 : i32
    %dma_start3A_186 = arith.constant 2816 : i32
    %dma_start3A_187 = tpu.memref_slice %arg3[%add3A_184, %dma_start3A_186] : memref<4096x8192xf32, #tpu.memory_space<hbm>> -> memref<16x2688xf32, #tpu.memory_space<hbm>>
    %dma_start3A_188 = arith.constant 0 : i32
    %dma_start3A_189 = arith.constant 0 : i32
    %dma_start3A_190 = tpu.memref_slice %arg4[%arg1, %dma_start3A_185, %dma_start3A_188, %dma_start3A_189] : memref<16x2x16x2688xf32, #tpu.memory_space<vmem_shared>> -> memref<1x1x16x2688xf32, #tpu.memory_space<vmem_shared>>
    %dma_start3A_191 = tpu.memref_squeeze %dma_start3A_190 : memref<1x1x16x2688xf32, #tpu.memory_space<vmem_shared>> -> memref<16x2688xf32, #tpu.memory_space<vmem_shared>>
    tpu.enqueue_dma source(%dma_start3A_191 : memref<16x2688xf32, #tpu.memory_space<vmem_shared>>) target(%dma_start3A_187 : memref<16x2688xf32, #tpu.memory_space<hbm>>) target_semaphore(%arg9 : memref<!tpu.dma_semaphore, #tpu.memory_space<semaphore_mem>>)
    %add3A_192 = arith.constant 16 : i32
    %add3A_193 = arith.addi %mul3A_2, %add3A_192 : i32
    %dma_wait3A_194 = arith.constant 1 : i32
    %dma_wait3A_195 = arith.constant 128 : i32
    %dma_wait3A_196 = tpu.memref_slice %arg3[%add3A_193, %dma_wait3A_195] : memref<4096x8192xf32, #tpu.memory_space<hbm>> -> memref<16x2688xf32, #tpu.memory_space<hbm>>
    %dma_wait3A_197 = arith.constant 0 : i32
    %dma_wait3A_198 = arith.constant 0 : i32
    %dma_wait3A_199 = tpu.memref_slice %arg4[%arg1, %dma_wait3A_194, %dma_wait3A_197, %dma_wait3A_198] : memref<16x2x16x2688xf32, #tpu.memory_space<vmem_shared>> -> memref<1x1x16x2688xf32, #tpu.memory_space<vmem_shared>>
    %dma_wait3A_200 = tpu.memref_squeeze %dma_wait3A_199 : memref<1x1x16x2688xf32, #tpu.memory_space<vmem_shared>> -> memref<16x2688xf32, #tpu.memory_space<vmem_shared>>
    tpu.wait_dma2 semaphore(%arg10 : memref<!tpu.dma_semaphore, #tpu.memory_space<semaphore_mem>>) src(%dma_wait3A_200 : memref<16x2688xf32, #tpu.memory_space<vmem_shared>>) dst(%dma_wait3A_196 : memref<16x2688xf32, #tpu.memory_space<hbm>>)
    %add3A_201 = arith.constant 16 : i32
    %add3A_202 = arith.addi %mul3A_2, %add3A_201 : i32
    %dma_start3A_203 = arith.constant 1 : i32
    %dma_start3A_204 = arith.constant 0 : i32
    %dma_start3A_205 = arith.constant 0 : i32
    %dma_start3A_206 = tpu.memref_slice %arg4[%arg1, %dma_start3A_203, %dma_start3A_204, %dma_start3A_205] : memref<16x2x16x2688xf32, #tpu.memory_space<vmem_shared>> -> memref<1x1x16x2560xf32, #tpu.memory_space<vmem_shared>>
    %dma_start3A_207 = tpu.memref_squeeze %dma_start3A_206 : memref<1x1x16x2560xf32, #tpu.memory_space<vmem_shared>> -> memref<16x2560xf32, #tpu.memory_space<vmem_shared>>
    %dma_start3A_208 = arith.constant 5504 : i32
    %dma_start3A_209 = tpu.memref_slice %arg2[%add3A_202, %dma_start3A_208] : memref<4096x8192xf32, #tpu.memory_space<hbm>> -> memref<16x2560xf32, #tpu.memory_space<hbm>>
    tpu.enqueue_dma source(%dma_start3A_209 : memref<16x2560xf32, #tpu.memory_space<hbm>>) target(%dma_start3A_207 : memref<16x2560xf32, #tpu.memory_space<vmem_shared>>) target_semaphore(%arg8 : memref<!tpu.dma_semaphore, #tpu.memory_space<semaphore_mem>>)
    %add3A_210 = arith.constant 16 : i32
    %add3A_211 = arith.addi %mul3A_2, %add3A_210 : i32
    %dma_wait3A_212 = arith.constant 1 : i32
    %dma_wait3A_213 = arith.constant 0 : i32
    %dma_wait3A_214 = arith.constant 0 : i32
    %dma_wait3A_215 = tpu.memref_slice %arg4[%arg1, %dma_wait3A_212, %dma_wait3A_213, %dma_wait3A_214] : memref<16x2x16x2688xf32, #tpu.memory_space<vmem_shared>> -> memref<1x1x16x2560xf32, #tpu.memory_space<vmem_shared>>
    %dma_wait3A_216 = tpu.memref_squeeze %dma_wait3A_215 : memref<1x1x16x2560xf32, #tpu.memory_space<vmem_shared>> -> memref<16x2560xf32, #tpu.memory_space<vmem_shared>>
    %dma_wait3A_217 = arith.constant 5504 : i32
    %dma_wait3A_218 = tpu.memref_slice %arg2[%add3A_211, %dma_wait3A_217] : memref<4096x8192xf32, #tpu.memory_space<hbm>> -> memref<16x2560xf32, #tpu.memory_space<hbm>>
    tpu.wait_dma2 semaphore(%arg8 : memref<!tpu.dma_semaphore, #tpu.memory_space<semaphore_mem>>) src(%dma_wait3A_218 : memref<16x2560xf32, #tpu.memory_space<hbm>>) dst(%dma_wait3A_216 : memref<16x2560xf32, #tpu.memory_space<vmem_shared>>)
    %add3A_219 = arith.constant 16 : i32
    %add3A_220 = arith.addi %mul3A_2, %add3A_219 : i32
    %dma_start3A_221 = arith.constant 1 : i32
    %dma_start3A_222 = arith.constant 5504 : i32
    %dma_start3A_223 = tpu.memref_slice %arg3[%add3A_220, %dma_start3A_222] : memref<4096x8192xf32, #tpu.memory_space<hbm>> -> memref<16x2560xf32, #tpu.memory_space<hbm>>
    %dma_start3A_224 = arith.constant 0 : i32
    %dma_start3A_225 = arith.constant 0 : i32
    %dma_start3A_226 = tpu.memref_slice %arg4[%arg1, %dma_start3A_221, %dma_start3A_224, %dma_start3A_225] : memref<16x2x16x2688xf32, #tpu.memory_space<vmem_shared>> -> memref<1x1x16x2560xf32, #tpu.memory_space<vmem_shared>>
    %dma_start3A_227 = tpu.memref_squeeze %dma_start3A_226 : memref<1x1x16x2560xf32, #tpu.memory_space<vmem_shared>> -> memref<16x2560xf32, #tpu.memory_space<vmem_shared>>
    tpu.enqueue_dma source(%dma_start3A_227 : memref<16x2560xf32, #tpu.memory_space<vmem_shared>>) target(%dma_start3A_223 : memref<16x2560xf32, #tpu.memory_space<hbm>>) target_semaphore(%arg10 : memref<!tpu.dma_semaphore, #tpu.memory_space<semaphore_mem>>)
    %add3A_228 = arith.constant 16 : i32
    %add3A_229 = arith.addi %mul3A_2, %add3A_228 : i32
    %dma_wait3A_230 = arith.constant 0 : i32
    %dma_wait3A_231 = arith.constant 2816 : i32
    %dma_wait3A_232 = tpu.memref_slice %arg3[%add3A_229, %dma_wait3A_231] : memref<4096x8192xf32, #tpu.memory_space<hbm>> -> memref<16x2688xf32, #tpu.memory_space<hbm>>
    %dma_wait3A_233 = arith.constant 0 : i32
    %dma_wait3A_234 = arith.constant 0 : i32
    %dma_wait3A_235 = tpu.memref_slice %arg4[%arg1, %dma_wait3A_230, %dma_wait3A_233, %dma_wait3A_234] : memref<16x2x16x2688xf32, #tpu.memory_space<vmem_shared>> -> memref<1x1x16x2688xf32, #tpu.memory_space<vmem_shared>>
    %dma_wait3A_236 = tpu.memref_squeeze %dma_wait3A_235 : memref<1x1x16x2688xf32, #tpu.memory_space<vmem_shared>> -> memref<16x2688xf32, #tpu.memory_space<vmem_shared>>
    tpu.wait_dma2 semaphore(%arg9 : memref<!tpu.dma_semaphore, #tpu.memory_space<semaphore_mem>>) src(%dma_wait3A_236 : memref<16x2688xf32, #tpu.memory_space<vmem_shared>>) dst(%dma_wait3A_232 : memref<16x2688xf32, #tpu.memory_space<hbm>>)
    %add3A_237 = arith.constant 32 : i32
    %add3A_238 = arith.addi %mul3A_2, %add3A_237 : i32
    %dma_start3A_239 = arith.constant 0 : i32
    %dma_start3A_240 = arith.constant 0 : i32
    %dma_start3A_241 = arith.constant 0 : i32
    %dma_start3A_242 = tpu.memref_slice %arg4[%arg1, %dma_start3A_239, %dma_start3A_240, %dma_start3A_241] : memref<16x2x16x2688xf32, #tpu.memory_space<vmem_shared>> -> memref<1x1x16x2688xf32, #tpu.memory_space<vmem_shared>>
    %dma_start3A_243 = tpu.memref_squeeze %dma_start3A_242 : memref<1x1x16x2688xf32, #tpu.memory_space<vmem_shared>> -> memref<16x2688xf32, #tpu.memory_space<vmem_shared>>
    %dma_start3A_244 = arith.constant 128 : i32
    %dma_start3A_245 = tpu.memref_slice %arg2[%add3A_238, %dma_start3A_244] : memref<4096x8192xf32, #tpu.memory_space<hbm>> -> memref<16x2688xf32, #tpu.memory_space<hbm>>
    tpu.enqueue_dma source(%dma_start3A_245 : memref<16x2688xf32, #tpu.memory_space<hbm>>) target(%dma_start3A_243 : memref<16x2688xf32, #tpu.memory_space<vmem_shared>>) target_semaphore(%arg7 : memref<!tpu.dma_semaphore, #tpu.memory_space<semaphore_mem>>)
    %add3A_246 = arith.constant 32 : i32
    %add3A_247 = arith.addi %mul3A_2, %add3A_246 : i32
    %dma_wait3A_248 = arith.constant 0 : i32
    %dma_wait3A_249 = arith.constant 0 : i32
    %dma_wait3A_250 = arith.constant 0 : i32
    %dma_wait3A_251 = tpu.memref_slice %arg4[%arg1, %dma_wait3A_248, %dma_wait3A_249, %dma_wait3A_250] : memref<16x2x16x2688xf32, #tpu.memory_space<vmem_shared>> -> memref<1x1x16x2688xf32, #tpu.memory_space<vmem_shared>>
    %dma_wait3A_252 = tpu.memref_squeeze %dma_wait3A_251 : memref<1x1x16x2688xf32, #tpu.memory_space<vmem_shared>> -> memref<16x2688xf32, #tpu.memory_space<vmem_shared>>
    %dma_wait3A_253 = arith.constant 128 : i32
    %dma_wait3A_254 = tpu.memref_slice %arg2[%add3A_247, %dma_wait3A_253] : memref<4096x8192xf32, #tpu.memory_space<hbm>> -> memref<16x2688xf32, #tpu.memory_space<hbm>>
    tpu.wait_dma2 semaphore(%arg7 : memref<!tpu.dma_semaphore, #tpu.memory_space<semaphore_mem>>) src(%dma_wait3A_254 : memref<16x2688xf32, #tpu.memory_space<hbm>>) dst(%dma_wait3A_252 : memref<16x2688xf32, #tpu.memory_space<vmem_shared>>)
    %add3A_255 = arith.constant 32 : i32
    %add3A_256 = arith.addi %mul3A_2, %add3A_255 : i32
    %dma_start3A_257 = arith.constant 0 : i32
    %dma_start3A_258 = arith.constant 128 : i32
    %dma_start3A_259 = tpu.memref_slice %arg3[%add3A_256, %dma_start3A_258] : memref<4096x8192xf32, #tpu.memory_space<hbm>> -> memref<16x2688xf32, #tpu.memory_space<hbm>>
    %dma_start3A_260 = arith.constant 0 : i32
    %dma_start3A_261 = arith.constant 0 : i32
    %dma_start3A_262 = tpu.memref_slice %arg4[%arg1, %dma_start3A_257, %dma_start3A_260, %dma_start3A_261] : memref<16x2x16x2688xf32, #tpu.memory_space<vmem_shared>> -> memref<1x1x16x2688xf32, #tpu.memory_space<vmem_shared>>
    %dma_start3A_263 = tpu.memref_squeeze %dma_start3A_262 : memref<1x1x16x2688xf32, #tpu.memory_space<vmem_shared>> -> memref<16x2688xf32, #tpu.memory_space<vmem_shared>>
    tpu.enqueue_dma source(%dma_start3A_263 : memref<16x2688xf32, #tpu.memory_space<vmem_shared>>) target(%dma_start3A_259 : memref<16x2688xf32, #tpu.memory_space<hbm>>) target_semaphore(%arg9 : memref<!tpu.dma_semaphore, #tpu.memory_space<semaphore_mem>>)
    %add3A_264 = arith.constant 16 : i32
    %add3A_265 = arith.addi %mul3A_2, %add3A_264 : i32
    %dma_wait3A_266 = arith.constant 1 : i32
    %dma_wait3A_267 = arith.constant 5504 : i32
    %dma_wait3A_268 = tpu.memref_slice %arg3[%add3A_265, %dma_wait3A_267] : memref<4096x8192xf32, #tpu.memory_space<hbm>> -> memref<16x2560xf32, #tpu.memory_space<hbm>>
    %dma_wait3A_269 = arith.constant 0 : i32
    %dma_wait3A_270 = arith.constant 0 : i32
    %dma_wait3A_271 = tpu.memref_slice %arg4[%arg1, %dma_wait3A_266, %dma_wait3A_269, %dma_wait3A_270] : memref<16x2x16x2688xf32, #tpu.memory_space<vmem_shared>> -> memref<1x1x16x2560xf32, #tpu.memory_space<vmem_shared>>
    %dma_wait3A_272 = tpu.memref_squeeze %dma_wait3A_271 : memref<1x1x16x2560xf32, #tpu.memory_space<vmem_shared>> -> memref<16x2560xf32, #tpu.memory_space<vmem_shared>>
    tpu.wait_dma2 semaphore(%arg10 : memref<!tpu.dma_semaphore, #tpu.memory_space<semaphore_mem>>) src(%dma_wait3A_272 : memref<16x2560xf32, #tpu.memory_space<vmem_shared>>) dst(%dma_wait3A_268 : memref<16x2560xf32, #tpu.memory_space<hbm>>)
    %add3A_273 = arith.constant 32 : i32
    %add3A_274 = arith.addi %mul3A_2, %add3A_273 : i32
    %dma_start3A_275 = arith.constant 1 : i32
    %dma_start3A_276 = arith.constant 0 : i32
    %dma_start3A_277 = arith.constant 0 : i32
    %dma_start3A_278 = tpu.memref_slice %arg4[%arg1, %dma_start3A_275, %dma_start3A_276, %dma_start3A_277] : memref<16x2x16x2688xf32, #tpu.memory_space<vmem_shared>> -> memref<1x1x16x2688xf32, #tpu.memory_space<vmem_shared>>
    %dma_start3A_279 = tpu.memref_squeeze %dma_start3A_278 : memref<1x1x16x2688xf32, #tpu.memory_space<vmem_shared>> -> memref<16x2688xf32, #tpu.memory_space<vmem_shared>>
    %dma_start3A_280 = arith.constant 2816 : i32
    %dma_start3A_281 = tpu.memref_slice %arg2[%add3A_274, %dma_start3A_280] : memref<4096x8192xf32, #tpu.memory_space<hbm>> -> memref<16x2688xf32, #tpu.memory_space<hbm>>
    tpu.enqueue_dma source(%dma_start3A_281 : memref<16x2688xf32, #tpu.memory_space<hbm>>) target(%dma_start3A_279 : memref<16x2688xf32, #tpu.memory_space<vmem_shared>>) target_semaphore(%arg8 : memref<!tpu.dma_semaphore, #tpu.memory_space<semaphore_mem>>)
    %add3A_282 = arith.constant 32 : i32
    %add3A_283 = arith.addi %mul3A_2, %add3A_282 : i32
    %dma_wait3A_284 = arith.constant 1 : i32
    %dma_wait3A_285 = arith.constant 0 : i32
    %dma_wait3A_286 = arith.constant 0 : i32
    %dma_wait3A_287 = tpu.memref_slice %arg4[%arg1, %dma_wait3A_284, %dma_wait3A_285, %dma_wait3A_286] : memref<16x2x16x2688xf32, #tpu.memory_space<vmem_shared>> -> memref<1x1x16x2688xf32, #tpu.memory_space<vmem_shared>>
    %dma_wait3A_288 = tpu.memref_squeeze %dma_wait3A_287 : memref<1x1x16x2688xf32, #tpu.memory_space<vmem_shared>> -> memref<16x2688xf32, #tpu.memory_space<vmem_shared>>
    %dma_wait3A_289 = arith.constant 2816 : i32
    %dma_wait3A_290 = tpu.memref_slice %arg2[%add3A_283, %dma_wait3A_289] : memref<4096x8192xf32, #tpu.memory_space<hbm>> -> memref<16x2688xf32, #tpu.memory_space<hbm>>
    tpu.wait_dma2 semaphore(%arg8 : memref<!tpu.dma_semaphore, #tpu.memory_space<semaphore_mem>>) src(%dma_wait3A_290 : memref<16x2688xf32, #tpu.memory_space<hbm>>) dst(%dma_wait3A_288 : memref<16x2688xf32, #tpu.memory_space<vmem_shared>>)
    %add3A_291 = arith.constant 32 : i32
    %add3A_292 = arith.addi %mul3A_2, %add3A_291 : i32
    %dma_start3A_293 = arith.constant 1 : i32
    %dma_start3A_294 = arith.constant 2816 : i32
    %dma_start3A_295 = tpu.memref_slice %arg3[%add3A_292, %dma_start3A_294] : memref<4096x8192xf32, #tpu.memory_space<hbm>> -> memref<16x2688xf32, #tpu.memory_space<hbm>>
    %dma_start3A_296 = arith.constant 0 : i32
    %dma_start3A_297 = arith.constant 0 : i32
    %dma_start3A_298 = tpu.memref_slice %arg4[%arg1, %dma_start3A_293, %dma_start3A_296, %dma_start3A_297] : memref<16x2x16x2688xf32, #tpu.memory_space<vmem_shared>> -> memref<1x1x16x2688xf32, #tpu.memory_space<vmem_shared>>
    %dma_start3A_299 = tpu.memref_squeeze %dma_start3A_298 : memref<1x1x16x2688xf32, #tpu.memory_space<vmem_shared>> -> memref<16x2688xf32, #tpu.memory_space<vmem_shared>>
    tpu.enqueue_dma source(%dma_start3A_299 : memref<16x2688xf32, #tpu.memory_space<vmem_shared>>) target(%dma_start3A_295 : memref<16x2688xf32, #tpu.memory_space<hbm>>) target_semaphore(%arg10 : memref<!tpu.dma_semaphore, #tpu.memory_space<semaphore_mem>>)
    %add3A_300 = arith.constant 32 : i32
    %add3A_301 = arith.addi %mul3A_2, %add3A_300 : i32
    %dma_wait3A_302 = arith.constant 0 : i32
    %dma_wait3A_303 = arith.constant 128 : i32
    %dma_wait3A_304 = tpu.memref_slice %arg3[%add3A_301, %dma_wait3A_303] : memref<4096x8192xf32, #tpu.memory_space<hbm>> -> memref<16x2688xf32, #tpu.memory_space<hbm>>
    %dma_wait3A_305 = arith.constant 0 : i32
    %dma_wait3A_306 = arith.constant 0 : i32
    %dma_wait3A_307 = tpu.memref_slice %arg4[%arg1, %dma_wait3A_302, %dma_wait3A_305, %dma_wait3A_306] : memref<16x2x16x2688xf32, #tpu.memory_space<vmem_shared>> -> memref<1x1x16x2688xf32, #tpu.memory_space<vmem_shared>>
    %dma_wait3A_308 = tpu.memref_squeeze %dma_wait3A_307 : memref<1x1x16x2688xf32, #tpu.memory_space<vmem_shared>> -> memref<16x2688xf32, #tpu.memory_space<vmem_shared>>
    tpu.wait_dma2 semaphore(%arg9 : memref<!tpu.dma_semaphore, #tpu.memory_space<semaphore_mem>>) src(%dma_wait3A_308 : memref<16x2688xf32, #tpu.memory_space<vmem_shared>>) dst(%dma_wait3A_304 : memref<16x2688xf32, #tpu.memory_space<hbm>>)
    %add3A_309 = arith.constant 32 : i32
    %add3A_310 = arith.addi %mul3A_2, %add3A_309 : i32
    %dma_start3A_311 = arith.constant 0 : i32
    %dma_start3A_312 = arith.constant 0 : i32
    %dma_start3A_313 = arith.constant 0 : i32
    %dma_start3A_314 = tpu.memref_slice %arg4[%arg1, %dma_start3A_311, %dma_start3A_312, %dma_start3A_313] : memref<16x2x16x2688xf32, #tpu.memory_space<vmem_shared>> -> memref<1x1x16x2560xf32, #tpu.memory_space<vmem_shared>>
    %dma_start3A_315 = tpu.memref_squeeze %dma_start3A_314 : memref<1x1x16x2560xf32, #tpu.memory_space<vmem_shared>> -> memref<16x2560xf32, #tpu.memory_space<vmem_shared>>
    %dma_start3A_316 = arith.constant 5504 : i32
    %dma_start3A_317 = tpu.memref_slice %arg2[%add3A_310, %dma_start3A_316] : memref<4096x8192xf32, #tpu.memory_space<hbm>> -> memref<16x2560xf32, #tpu.memory_space<hbm>>
    tpu.enqueue_dma source(%dma_start3A_317 : memref<16x2560xf32, #tpu.memory_space<hbm>>) target(%dma_start3A_315 : memref<16x2560xf32, #tpu.memory_space<vmem_shared>>) target_semaphore(%arg7 : memref<!tpu.dma_semaphore, #tpu.memory_space<semaphore_mem>>)
    %add3A_318 = arith.constant 32 : i32
    %add3A_319 = arith.addi %mul3A_2, %add3A_318 : i32
    %dma_wait3A_320 = arith.constant 0 : i32
    %dma_wait3A_321 = arith.constant 0 : i32
    %dma_wait3A_322 = arith.constant 0 : i32
    %dma_wait3A_323 = tpu.memref_slice %arg4[%arg1, %dma_wait3A_320, %dma_wait3A_321, %dma_wait3A_322] : memref<16x2x16x2688xf32, #tpu.memory_space<vmem_shared>> -> memref<1x1x16x2560xf32, #tpu.memory_space<vmem_shared>>
    %dma_wait3A_324 = tpu.memref_squeeze %dma_wait3A_323 : memref<1x1x16x2560xf32, #tpu.memory_space<vmem_shared>> -> memref<16x2560xf32, #tpu.memory_space<vmem_shared>>
    %dma_wait3A_325 = arith.constant 5504 : i32
    %dma_wait3A_326 = tpu.memref_slice %arg2[%add3A_319, %dma_wait3A_325] : memref<4096x8192xf32, #tpu.memory_space<hbm>> -> memref<16x2560xf32, #tpu.memory_space<hbm>>
    tpu.wait_dma2 semaphore(%arg7 : memref<!tpu.dma_semaphore, #tpu.memory_space<semaphore_mem>>) src(%dma_wait3A_326 : memref<16x2560xf32, #tpu.memory_space<hbm>>) dst(%dma_wait3A_324 : memref<16x2560xf32, #tpu.memory_space<vmem_shared>>)
    %add3A_327 = arith.constant 32 : i32
    %add3A_328 = arith.addi %mul3A_2, %add3A_327 : i32
    %dma_start3A_329 = arith.constant 0 : i32
    %dma_start3A_330 = arith.constant 5504 : i32
    %dma_start3A_331 = tpu.memref_slice %arg3[%add3A_328, %dma_start3A_330] : memref<4096x8192xf32, #tpu.memory_space<hbm>> -> memref<16x2560xf32, #tpu.memory_space<hbm>>
    %dma_start3A_332 = arith.constant 0 : i32
    %dma_start3A_333 = arith.constant 0 : i32
    %dma_start3A_334 = tpu.memref_slice %arg4[%arg1, %dma_start3A_329, %dma_start3A_332, %dma_start3A_333] : memref<16x2x16x2688xf32, #tpu.memory_space<vmem_shared>> -> memref<1x1x16x2560xf32, #tpu.memory_space<vmem_shared>>
    %dma_start3A_335 = tpu.memref_squeeze %dma_start3A_334 : memref<1x1x16x2560xf32, #tpu.memory_space<vmem_shared>> -> memref<16x2560xf32, #tpu.memory_space<vmem_shared>>
    tpu.enqueue_dma source(%dma_start3A_335 : memref<16x2560xf32, #tpu.memory_space<vmem_shared>>) target(%dma_start3A_331 : memref<16x2560xf32, #tpu.memory_space<hbm>>) target_semaphore(%arg9 : memref<!tpu.dma_semaphore, #tpu.memory_space<semaphore_mem>>)
    %add3A_336 = arith.constant 32 : i32
    %add3A_337 = arith.addi %mul3A_2, %add3A_336 : i32
    %dma_wait3A_338 = arith.constant 1 : i32
    %dma_wait3A_339 = arith.constant 2816 : i32
    %dma_wait3A_340 = tpu.memref_slice %arg3[%add3A_337, %dma_wait3A_339] : memref<4096x8192xf32, #tpu.memory_space<hbm>> -> memref<16x2688xf32, #tpu.memory_space<hbm>>
    %dma_wait3A_341 = arith.constant 0 : i32
    %dma_wait3A_342 = arith.constant 0 : i32
    %dma_wait3A_343 = tpu.memref_slice %arg4[%arg1, %dma_wait3A_338, %dma_wait3A_341, %dma_wait3A_342] : memref<16x2x16x2688xf32, #tpu.memory_space<vmem_shared>> -> memref<1x1x16x2688xf32, #tpu.memory_space<vmem_shared>>
    %dma_wait3A_344 = tpu.memref_squeeze %dma_wait3A_343 : memref<1x1x16x2688xf32, #tpu.memory_space<vmem_shared>> -> memref<16x2688xf32, #tpu.memory_space<vmem_shared>>
    tpu.wait_dma2 semaphore(%arg10 : memref<!tpu.dma_semaphore, #tpu.memory_space<semaphore_mem>>) src(%dma_wait3A_344 : memref<16x2688xf32, #tpu.memory_space<vmem_shared>>) dst(%dma_wait3A_340 : memref<16x2688xf32, #tpu.memory_space<hbm>>)
    %add3A_345 = arith.constant 48 : i32
    %add3A_346 = arith.addi %mul3A_2, %add3A_345 : i32
    %dma_start3A_347 = arith.constant 1 : i32
    %dma_start3A_348 = arith.constant 0 : i32
    %dma_start3A_349 = arith.constant 0 : i32
    %dma_start3A_350 = tpu.memref_slice %arg4[%arg1, %dma_start3A_347, %dma_start3A_348, %dma_start3A_349] : memref<16x2x16x2688xf32, #tpu.memory_space<vmem_shared>> -> memref<1x1x16x2688xf32, #tpu.memory_space<vmem_shared>>
    %dma_start3A_351 = tpu.memref_squeeze %dma_start3A_350 : memref<1x1x16x2688xf32, #tpu.memory_space<vmem_shared>> -> memref<16x2688xf32, #tpu.memory_space<vmem_shared>>
    %dma_start3A_352 = arith.constant 128 : i32
    %dma_start3A_353 = tpu.memref_slice %arg2[%add3A_346, %dma_start3A_352] : memref<4096x8192xf32, #tpu.memory_space<hbm>> -> memref<16x2688xf32, #tpu.memory_space<hbm>>
    tpu.enqueue_dma source(%dma_start3A_353 : memref<16x2688xf32, #tpu.memory_space<hbm>>) target(%dma_start3A_351 : memref<16x2688xf32, #tpu.memory_space<vmem_shared>>) target_semaphore(%arg8 : memref<!tpu.dma_semaphore, #tpu.memory_space<semaphore_mem>>)
    %add3A_354 = arith.constant 48 : i32
    %add3A_355 = arith.addi %mul3A_2, %add3A_354 : i32
    %dma_wait3A_356 = arith.constant 1 : i32
    %dma_wait3A_357 = arith.constant 0 : i32
    %dma_wait3A_358 = arith.constant 0 : i32
    %dma_wait3A_359 = tpu.memref_slice %arg4[%arg1, %dma_wait3A_356, %dma_wait3A_357, %dma_wait3A_358] : memref<16x2x16x2688xf32, #tpu.memory_space<vmem_shared>> -> memref<1x1x16x2688xf32, #tpu.memory_space<vmem_shared>>
    %dma_wait3A_360 = tpu.memref_squeeze %dma_wait3A_359 : memref<1x1x16x2688xf32, #tpu.memory_space<vmem_shared>> -> memref<16x2688xf32, #tpu.memory_space<vmem_shared>>
    %dma_wait3A_361 = arith.constant 128 : i32
    %dma_wait3A_362 = tpu.memref_slice %arg2[%add3A_355, %dma_wait3A_361] : memref<4096x8192xf32, #tpu.memory_space<hbm>> -> memref<16x2688xf32, #tpu.memory_space<hbm>>
    tpu.wait_dma2 semaphore(%arg8 : memref<!tpu.dma_semaphore, #tpu.memory_space<semaphore_mem>>) src(%dma_wait3A_362 : memref<16x2688xf32, #tpu.memory_space<hbm>>) dst(%dma_wait3A_360 : memref<16x2688xf32, #tpu.memory_space<vmem_shared>>)
    %add3A_363 = arith.constant 48 : i32
    %add3A_364 = arith.addi %mul3A_2, %add3A_363 : i32
    %dma_start3A_365 = arith.constant 1 : i32
    %dma_start3A_366 = arith.constant 128 : i32
    %dma_start3A_367 = tpu.memref_slice %arg3[%add3A_364, %dma_start3A_366] : memref<4096x8192xf32, #tpu.memory_space<hbm>> -> memref<16x2688xf32, #tpu.memory_space<hbm>>
    %dma_start3A_368 = arith.constant 0 : i32
    %dma_start3A_369 = arith.constant 0 : i32
    %dma_start3A_370 = tpu.memref_slice %arg4[%arg1, %dma_start3A_365, %dma_start3A_368, %dma_start3A_369] : memref<16x2x16x2688xf32, #tpu.memory_space<vmem_shared>> -> memref<1x1x16x2688xf32, #tpu.memory_space<vmem_shared>>
    %dma_start3A_371 = tpu.memref_squeeze %dma_start3A_370 : memref<1x1x16x2688xf32, #tpu.memory_space<vmem_shared>> -> memref<16x2688xf32, #tpu.memory_space<vmem_shared>>
    tpu.enqueue_dma source(%dma_start3A_371 : memref<16x2688xf32, #tpu.memory_space<vmem_shared>>) target(%dma_start3A_367 : memref<16x2688xf32, #tpu.memory_space<hbm>>) target_semaphore(%arg10 : memref<!tpu.dma_semaphore, #tpu.memory_space<semaphore_mem>>)
    %add3A_372 = arith.constant 32 : i32
    %add3A_373 = arith.addi %mul3A_2, %add3A_372 : i32
    %dma_wait3A_374 = arith.constant 0 : i32
    %dma_wait3A_375 = arith.constant 5504 : i32
    %dma_wait3A_376 = tpu.memref_slice %arg3[%add3A_373, %dma_wait3A_375] : memref<4096x8192xf32, #tpu.memory_space<hbm>> -> memref<16x2560xf32, #tpu.memory_space<hbm>>
    %dma_wait3A_377 = arith.constant 0 : i32
    %dma_wait3A_378 = arith.constant 0 : i32
    %dma_wait3A_379 = tpu.memref_slice %arg4[%arg1, %dma_wait3A_374, %dma_wait3A_377, %dma_wait3A_378] : memref<16x2x16x2688xf32, #tpu.memory_space<vmem_shared>> -> memref<1x1x16x2560xf32, #tpu.memory_space<vmem_shared>>
    %dma_wait3A_380 = tpu.memref_squeeze %dma_wait3A_379 : memref<1x1x16x2560xf32, #tpu.memory_space<vmem_shared>> -> memref<16x2560xf32, #tpu.memory_space<vmem_shared>>
    tpu.wait_dma2 semaphore(%arg9 : memref<!tpu.dma_semaphore, #tpu.memory_space<semaphore_mem>>) src(%dma_wait3A_380 : memref<16x2560xf32, #tpu.memory_space<vmem_shared>>) dst(%dma_wait3A_376 : memref<16x2560xf32, #tpu.memory_space<hbm>>)
    %add3A_381 = arith.constant 48 : i32
    %add3A_382 = arith.addi %mul3A_2, %add3A_381 : i32
    %dma_start3A_383 = arith.constant 0 : i32
    %dma_start3A_384 = arith.constant 0 : i32
    %dma_start3A_385 = arith.constant 0 : i32
    %dma_start3A_386 = tpu.memref_slice %arg4[%arg1, %dma_start3A_383, %dma_start3A_384, %dma_start3A_385] : memref<16x2x16x2688xf32, #tpu.memory_space<vmem_shared>> -> memref<1x1x16x2688xf32, #tpu.memory_space<vmem_shared>>
    %dma_start3A_387 = tpu.memref_squeeze %dma_start3A_386 : memref<1x1x16x2688xf32, #tpu.memory_space<vmem_shared>> -> memref<16x2688xf32, #tpu.memory_space<vmem_shared>>
    %dma_start3A_388 = arith.constant 2816 : i32
    %dma_start3A_389 = tpu.memref_slice %arg2[%add3A_382, %dma_start3A_388] : memref<4096x8192xf32, #tpu.memory_space<hbm>> -> memref<16x2688xf32, #tpu.memory_space<hbm>>
    tpu.enqueue_dma source(%dma_start3A_389 : memref<16x2688xf32, #tpu.memory_space<hbm>>) target(%dma_start3A_387 : memref<16x2688xf32, #tpu.memory_space<vmem_shared>>) target_semaphore(%arg7 : memref<!tpu.dma_semaphore, #tpu.memory_space<semaphore_mem>>)
    %add3A_390 = arith.constant 48 : i32
    %add3A_391 = arith.addi %mul3A_2, %add3A_390 : i32
    %dma_wait3A_392 = arith.constant 0 : i32
    %dma_wait3A_393 = arith.constant 0 : i32
    %dma_wait3A_394 = arith.constant 0 : i32
    %dma_wait3A_395 = tpu.memref_slice %arg4[%arg1, %dma_wait3A_392, %dma_wait3A_393, %dma_wait3A_394] : memref<16x2x16x2688xf32, #tpu.memory_space<vmem_shared>> -> memref<1x1x16x2688xf32, #tpu.memory_space<vmem_shared>>
    %dma_wait3A_396 = tpu.memref_squeeze %dma_wait3A_395 : memref<1x1x16x2688xf32, #tpu.memory_space<vmem_shared>> -> memref<16x2688xf32, #tpu.memory_space<vmem_shared>>
    %dma_wait3A_397 = arith.constant 2816 : i32
    %dma_wait3A_398 = tpu.memref_slice %arg2[%add3A_391, %dma_wait3A_397] : memref<4096x8192xf32, #tpu.memory_space<hbm>> -> memref<16x2688xf32, #tpu.memory_space<hbm>>
    tpu.wait_dma2 semaphore(%arg7 : memref<!tpu.dma_semaphore, #tpu.memory_space<semaphore_mem>>) src(%dma_wait3A_398 : memref<16x2688xf32, #tpu.memory_space<hbm>>) dst(%dma_wait3A_396 : memref<16x2688xf32, #tpu.memory_space<vmem_shared>>)
    %add3A_399 = arith.constant 48 : i32
    %add3A_400 = arith.addi %mul3A_2, %add3A_399 : i32
    %dma_start3A_401 = arith.constant 0 : i32
    %dma_start3A_402 = arith.constant 2816 : i32
    %dma_start3A_403 = tpu.memref_slice %arg3[%add3A_400, %dma_start3A_402] : memref<4096x8192xf32, #tpu.memory_space<hbm>> -> memref<16x2688xf32, #tpu.memory_space<hbm>>
    %dma_start3A_404 = arith.constant 0 : i32
    %dma_start3A_405 = arith.constant 0 : i32
    %dma_start3A_406 = tpu.memref_slice %arg4[%arg1, %dma_start3A_401, %dma_start3A_404, %dma_start3A_405] : memref<16x2x16x2688xf32, #tpu.memory_space<vmem_shared>> -> memref<1x1x16x2688xf32, #tpu.memory_space<vmem_shared>>
    %dma_start3A_407 = tpu.memref_squeeze %dma_start3A_406 : memref<1x1x16x2688xf32, #tpu.memory_space<vmem_shared>> -> memref<16x2688xf32, #tpu.memory_space<vmem_shared>>
    tpu.enqueue_dma source(%dma_start3A_407 : memref<16x2688xf32, #tpu.memory_space<vmem_shared>>) target(%dma_start3A_403 : memref<16x2688xf32, #tpu.memory_space<hbm>>) target_semaphore(%arg9 : memref<!tpu.dma_semaphore, #tpu.memory_space<semaphore_mem>>)
    %add3A_408 = arith.constant 48 : i32
    %add3A_409 = arith.addi %mul3A_2, %add3A_408 : i32
    %dma_wait3A_410 = arith.constant 1 : i32
    %dma_wait3A_411 = arith.constant 128 : i32
    %dma_wait3A_412 = tpu.memref_slice %arg3[%add3A_409, %dma_wait3A_411] : memref<4096x8192xf32, #tpu.memory_space<hbm>> -> memref<16x2688xf32, #tpu.memory_space<hbm>>
    %dma_wait3A_413 = arith.constant 0 : i32
    %dma_wait3A_414 = arith.constant 0 : i32
    %dma_wait3A_415 = tpu.memref_slice %arg4[%arg1, %dma_wait3A_410, %dma_wait3A_413, %dma_wait3A_414] : memref<16x2x16x2688xf32, #tpu.memory_space<vmem_shared>> -> memref<1x1x16x2688xf32, #tpu.memory_space<vmem_shared>>
    %dma_wait3A_416 = tpu.memref_squeeze %dma_wait3A_415 : memref<1x1x16x2688xf32, #tpu.memory_space<vmem_shared>> -> memref<16x2688xf32, #tpu.memory_space<vmem_shared>>
    tpu.wait_dma2 semaphore(%arg10 : memref<!tpu.dma_semaphore, #tpu.memory_space<semaphore_mem>>) src(%dma_wait3A_416 : memref<16x2688xf32, #tpu.memory_space<vmem_shared>>) dst(%dma_wait3A_412 : memref<16x2688xf32, #tpu.memory_space<hbm>>)
    %add3A_417 = arith.constant 48 : i32
    %add3A_418 = arith.addi %mul3A_2, %add3A_417 : i32
    %dma_start3A_419 = arith.constant 1 : i32
    %dma_start3A_420 = arith.constant 0 : i32
    %dma_start3A_421 = arith.constant 0 : i32
    %dma_start3A_422 = tpu.memref_slice %arg4[%arg1, %dma_start3A_419, %dma_start3A_420, %dma_start3A_421] : memref<16x2x16x2688xf32, #tpu.memory_space<vmem_shared>> -> memref<1x1x16x2560xf32, #tpu.memory_space<vmem_shared>>
    %dma_start3A_423 = tpu.memref_squeeze %dma_start3A_422 : memref<1x1x16x2560xf32, #tpu.memory_space<vmem_shared>> -> memref<16x2560xf32, #tpu.memory_space<vmem_shared>>
    %dma_start3A_424 = arith.constant 5504 : i32
    %dma_start3A_425 = tpu.memref_slice %arg2[%add3A_418, %dma_start3A_424] : memref<4096x8192xf32, #tpu.memory_space<hbm>> -> memref<16x2560xf32, #tpu.memory_space<hbm>>
    tpu.enqueue_dma source(%dma_start3A_425 : memref<16x2560xf32, #tpu.memory_space<hbm>>) target(%dma_start3A_423 : memref<16x2560xf32, #tpu.memory_space<vmem_shared>>) target_semaphore(%arg8 : memref<!tpu.dma_semaphore, #tpu.memory_space<semaphore_mem>>)
    %add3A_426 = arith.constant 48 : i32
    %add3A_427 = arith.addi %mul3A_2, %add3A_426 : i32
    %dma_wait3A_428 = arith.constant 1 : i32
    %dma_wait3A_429 = arith.constant 0 : i32
    %dma_wait3A_430 = arith.constant 0 : i32
    %dma_wait3A_431 = tpu.memref_slice %arg4[%arg1, %dma_wait3A_428, %dma_wait3A_429, %dma_wait3A_430] : memref<16x2x16x2688xf32, #tpu.memory_space<vmem_shared>> -> memref<1x1x16x2560xf32, #tpu.memory_space<vmem_shared>>
    %dma_wait3A_432 = tpu.memref_squeeze %dma_wait3A_431 : memref<1x1x16x2560xf32, #tpu.memory_space<vmem_shared>> -> memref<16x2560xf32, #tpu.memory_space<vmem_shared>>
    %dma_wait3A_433 = arith.constant 5504 : i32
    %dma_wait3A_434 = tpu.memref_slice %arg2[%add3A_427, %dma_wait3A_433] : memref<4096x8192xf32, #tpu.memory_space<hbm>> -> memref<16x2560xf32, #tpu.memory_space<hbm>>
    tpu.wait_dma2 semaphore(%arg8 : memref<!tpu.dma_semaphore, #tpu.memory_space<semaphore_mem>>) src(%dma_wait3A_434 : memref<16x2560xf32, #tpu.memory_space<hbm>>) dst(%dma_wait3A_432 : memref<16x2560xf32, #tpu.memory_space<vmem_shared>>)
    %add3A_435 = arith.constant 48 : i32
    %add3A_436 = arith.addi %mul3A_2, %add3A_435 : i32
    %dma_start3A_437 = arith.constant 1 : i32
    %dma_start3A_438 = arith.constant 5504 : i32
    %dma_start3A_439 = tpu.memref_slice %arg3[%add3A_436, %dma_start3A_438] : memref<4096x8192xf32, #tpu.memory_space<hbm>> -> memref<16x2560xf32, #tpu.memory_space<hbm>>
    %dma_start3A_440 = arith.constant 0 : i32
    %dma_start3A_441 = arith.constant 0 : i32
    %dma_start3A_442 = tpu.memref_slice %arg4[%arg1, %dma_start3A_437, %dma_start3A_440, %dma_start3A_441] : memref<16x2x16x2688xf32, #tpu.memory_space<vmem_shared>> -> memref<1x1x16x2560xf32, #tpu.memory_space<vmem_shared>>
    %dma_start3A_443 = tpu.memref_squeeze %dma_start3A_442 : memref<1x1x16x2560xf32, #tpu.memory_space<vmem_shared>> -> memref<16x2560xf32, #tpu.memory_space<vmem_shared>>
    tpu.enqueue_dma source(%dma_start3A_443 : memref<16x2560xf32, #tpu.memory_space<vmem_shared>>) target(%dma_start3A_439 : memref<16x2560xf32, #tpu.memory_space<hbm>>) target_semaphore(%arg10 : memref<!tpu.dma_semaphore, #tpu.memory_space<semaphore_mem>>)
    %add3A_444 = arith.constant 48 : i32
    %add3A_445 = arith.addi %mul3A_2, %add3A_444 : i32
    %dma_wait3A_446 = arith.constant 0 : i32
    %dma_wait3A_447 = arith.constant 2816 : i32
    %dma_wait3A_448 = tpu.memref_slice %arg3[%add3A_445, %dma_wait3A_447] : memref<4096x8192xf32, #tpu.memory_space<hbm>> -> memref<16x2688xf32, #tpu.memory_space<hbm>>
    %dma_wait3A_449 = arith.constant 0 : i32
    %dma_wait3A_450 = arith.constant 0 : i32
    %dma_wait3A_451 = tpu.memref_slice %arg4[%arg1, %dma_wait3A_446, %dma_wait3A_449, %dma_wait3A_450] : memref<16x2x16x2688xf32, #tpu.memory_space<vmem_shared>> -> memref<1x1x16x2688xf32, #tpu.memory_space<vmem_shared>>
    %dma_wait3A_452 = tpu.memref_squeeze %dma_wait3A_451 : memref<1x1x16x2688xf32, #tpu.memory_space<vmem_shared>> -> memref<16x2688xf32, #tpu.memory_space<vmem_shared>>
    tpu.wait_dma2 semaphore(%arg9 : memref<!tpu.dma_semaphore, #tpu.memory_space<semaphore_mem>>) src(%dma_wait3A_452 : memref<16x2688xf32, #tpu.memory_space<vmem_shared>>) dst(%dma_wait3A_448 : memref<16x2688xf32, #tpu.memory_space<hbm>>)
    %add3A_453 = arith.constant 64 : i32
    %add3A_454 = arith.addi %mul3A_2, %add3A_453 : i32
    %dma_start3A_455 = arith.constant 0 : i32
    %dma_start3A_456 = arith.constant 0 : i32
    %dma_start3A_457 = arith.constant 0 : i32
    %dma_start3A_458 = tpu.memref_slice %arg4[%arg1, %dma_start3A_455, %dma_start3A_456, %dma_start3A_457] : memref<16x2x16x2688xf32, #tpu.memory_space<vmem_shared>> -> memref<1x1x16x2688xf32, #tpu.memory_space<vmem_shared>>
    %dma_start3A_459 = tpu.memref_squeeze %dma_start3A_458 : memref<1x1x16x2688xf32, #tpu.memory_space<vmem_shared>> -> memref<16x2688xf32, #tpu.memory_space<vmem_shared>>
    %dma_start3A_460 = arith.constant 128 : i32
    %dma_start3A_461 = tpu.memref_slice %arg2[%add3A_454, %dma_start3A_460] : memref<4096x8192xf32, #tpu.memory_space<hbm>> -> memref<16x2688xf32, #tpu.memory_space<hbm>>
    tpu.enqueue_dma source(%dma_start3A_461 : memref<16x2688xf32, #tpu.memory_space<hbm>>) target(%dma_start3A_459 : memref<16x2688xf32, #tpu.memory_space<vmem_shared>>) target_semaphore(%arg7 : memref<!tpu.dma_semaphore, #tpu.memory_space<semaphore_mem>>)
    %add3A_462 = arith.constant 64 : i32
    %add3A_463 = arith.addi %mul3A_2, %add3A_462 : i32
    %dma_wait3A_464 = arith.constant 0 : i32
    %dma_wait3A_465 = arith.constant 0 : i32
    %dma_wait3A_466 = arith.constant 0 : i32
    %dma_wait3A_467 = tpu.memref_slice %arg4[%arg1, %dma_wait3A_464, %dma_wait3A_465, %dma_wait3A_466] : memref<16x2x16x2688xf32, #tpu.memory_space<vmem_shared>> -> memref<1x1x16x2688xf32, #tpu.memory_space<vmem_shared>>
    %dma_wait3A_468 = tpu.memref_squeeze %dma_wait3A_467 : memref<1x1x16x2688xf32, #tpu.memory_space<vmem_shared>> -> memref<16x2688xf32, #tpu.memory_space<vmem_shared>>
    %dma_wait3A_469 = arith.constant 128 : i32
    %dma_wait3A_470 = tpu.memref_slice %arg2[%add3A_463, %dma_wait3A_469] : memref<4096x8192xf32, #tpu.memory_space<hbm>> -> memref<16x2688xf32, #tpu.memory_space<hbm>>
    tpu.wait_dma2 semaphore(%arg7 : memref<!tpu.dma_semaphore, #tpu.memory_space<semaphore_mem>>) src(%dma_wait3A_470 : memref<16x2688xf32, #tpu.memory_space<hbm>>) dst(%dma_wait3A_468 : memref<16x2688xf32, #tpu.memory_space<vmem_shared>>)
    %add3A_471 = arith.constant 64 : i32
    %add3A_472 = arith.addi %mul3A_2, %add3A_471 : i32
    %dma_start3A_473 = arith.constant 0 : i32
    %dma_start3A_474 = arith.constant 128 : i32
    %dma_start3A_475 = tpu.memref_slice %arg3[%add3A_472, %dma_start3A_474] : memref<4096x8192xf32, #tpu.memory_space<hbm>> -> memref<16x2688xf32, #tpu.memory_space<hbm>>
    %dma_start3A_476 = arith.constant 0 : i32
    %dma_start3A_477 = arith.constant 0 : i32
    %dma_start3A_478 = tpu.memref_slice %arg4[%arg1, %dma_start3A_473, %dma_start3A_476, %dma_start3A_477] : memref<16x2x16x2688xf32, #tpu.memory_space<vmem_shared>> -> memref<1x1x16x2688xf32, #tpu.memory_space<vmem_shared>>
    %dma_start3A_479 = tpu.memref_squeeze %dma_start3A_478 : memref<1x1x16x2688xf32, #tpu.memory_space<vmem_shared>> -> memref<16x2688xf32, #tpu.memory_space<vmem_shared>>
    tpu.enqueue_dma source(%dma_start3A_479 : memref<16x2688xf32, #tpu.memory_space<vmem_shared>>) target(%dma_start3A_475 : memref<16x2688xf32, #tpu.memory_space<hbm>>) target_semaphore(%arg9 : memref<!tpu.dma_semaphore, #tpu.memory_space<semaphore_mem>>)
    %add3A_480 = arith.constant 48 : i32
    %add3A_481 = arith.addi %mul3A_2, %add3A_480 : i32
    %dma_wait3A_482 = arith.constant 1 : i32
    %dma_wait3A_483 = arith.constant 5504 : i32
    %dma_wait3A_484 = tpu.memref_slice %arg3[%add3A_481, %dma_wait3A_483] : memref<4096x8192xf32, #tpu.memory_space<hbm>> -> memref<16x2560xf32, #tpu.memory_space<hbm>>
    %dma_wait3A_485 = arith.constant 0 : i32
    %dma_wait3A_486 = arith.constant 0 : i32
    %dma_wait3A_487 = tpu.memref_slice %arg4[%arg1, %dma_wait3A_482, %dma_wait3A_485, %dma_wait3A_486] : memref<16x2x16x2688xf32, #tpu.memory_space<vmem_shared>> -> memref<1x1x16x2560xf32, #tpu.memory_space<vmem_shared>>
    %dma_wait3A_488 = tpu.memref_squeeze %dma_wait3A_487 : memref<1x1x16x2560xf32, #tpu.memory_space<vmem_shared>> -> memref<16x2560xf32, #tpu.memory_space<vmem_shared>>
    tpu.wait_dma2 semaphore(%arg10 : memref<!tpu.dma_semaphore, #tpu.memory_space<semaphore_mem>>) src(%dma_wait3A_488 : memref<16x2560xf32, #tpu.memory_space<vmem_shared>>) dst(%dma_wait3A_484 : memref<16x2560xf32, #tpu.memory_space<hbm>>)
    %add3A_489 = arith.constant 64 : i32
    %add3A_490 = arith.addi %mul3A_2, %add3A_489 : i32
    %dma_start3A_491 = arith.constant 1 : i32
    %dma_start3A_492 = arith.constant 0 : i32
    %dma_start3A_493 = arith.constant 0 : i32
    %dma_start3A_494 = tpu.memref_slice %arg4[%arg1, %dma_start3A_491, %dma_start3A_492, %dma_start3A_493] : memref<16x2x16x2688xf32, #tpu.memory_space<vmem_shared>> -> memref<1x1x16x2688xf32, #tpu.memory_space<vmem_shared>>
    %dma_start3A_495 = tpu.memref_squeeze %dma_start3A_494 : memref<1x1x16x2688xf32, #tpu.memory_space<vmem_shared>> -> memref<16x2688xf32, #tpu.memory_space<vmem_shared>>
    %dma_start3A_496 = arith.constant 2816 : i32
    %dma_start3A_497 = tpu.memref_slice %arg2[%add3A_490, %dma_start3A_496] : memref<4096x8192xf32, #tpu.memory_space<hbm>> -> memref<16x2688xf32, #tpu.memory_space<hbm>>
    tpu.enqueue_dma source(%dma_start3A_497 : memref<16x2688xf32, #tpu.memory_space<hbm>>) target(%dma_start3A_495 : memref<16x2688xf32, #tpu.memory_space<vmem_shared>>) target_semaphore(%arg8 : memref<!tpu.dma_semaphore, #tpu.memory_space<semaphore_mem>>)
    %add3A_498 = arith.constant 64 : i32
    %add3A_499 = arith.addi %mul3A_2, %add3A_498 : i32
    %dma_wait3A_500 = arith.constant 1 : i32
    %dma_wait3A_501 = arith.constant 0 : i32
    %dma_wait3A_502 = arith.constant 0 : i32
    %dma_wait3A_503 = tpu.memref_slice %arg4[%arg1, %dma_wait3A_500, %dma_wait3A_501, %dma_wait3A_502] : memref<16x2x16x2688xf32, #tpu.memory_space<vmem_shared>> -> memref<1x1x16x2688xf32, #tpu.memory_space<vmem_shared>>
    %dma_wait3A_504 = tpu.memref_squeeze %dma_wait3A_503 : memref<1x1x16x2688xf32, #tpu.memory_space<vmem_shared>> -> memref<16x2688xf32, #tpu.memory_space<vmem_shared>>
    %dma_wait3A_505 = arith.constant 2816 : i32
    %dma_wait3A_506 = tpu.memref_slice %arg2[%add3A_499, %dma_wait3A_505] : memref<4096x8192xf32, #tpu.memory_space<hbm>> -> memref<16x2688xf32, #tpu.memory_space<hbm>>
    tpu.wait_dma2 semaphore(%arg8 : memref<!tpu.dma_semaphore, #tpu.memory_space<semaphore_mem>>) src(%dma_wait3A_506 : memref<16x2688xf32, #tpu.memory_space<hbm>>) dst(%dma_wait3A_504 : memref<16x2688xf32, #tpu.memory_space<vmem_shared>>)
    %add3A_507 = arith.constant 64 : i32
    %add3A_508 = arith.addi %mul3A_2, %add3A_507 : i32
    %dma_start3A_509 = arith.constant 1 : i32
    %dma_start3A_510 = arith.constant 2816 : i32
    %dma_start3A_511 = tpu.memref_slice %arg3[%add3A_508, %dma_start3A_510] : memref<4096x8192xf32, #tpu.memory_space<hbm>> -> memref<16x2688xf32, #tpu.memory_space<hbm>>
    %dma_start3A_512 = arith.constant 0 : i32
    %dma_start3A_513 = arith.constant 0 : i32
    %dma_start3A_514 = tpu.memref_slice %arg4[%arg1, %dma_start3A_509, %dma_start3A_512, %dma_start3A_513] : memref<16x2x16x2688xf32, #tpu.memory_space<vmem_shared>> -> memref<1x1x16x2688xf32, #tpu.memory_space<vmem_shared>>
    %dma_start3A_515 = tpu.memref_squeeze %dma_start3A_514 : memref<1x1x16x2688xf32, #tpu.memory_space<vmem_shared>> -> memref<16x2688xf32, #tpu.memory_space<vmem_shared>>
    tpu.enqueue_dma source(%dma_start3A_515 : memref<16x2688xf32, #tpu.memory_space<vmem_shared>>) target(%dma_start3A_511 : memref<16x2688xf32, #tpu.memory_space<hbm>>) target_semaphore(%arg10 : memref<!tpu.dma_semaphore, #tpu.memory_space<semaphore_mem>>)
    %add3A_516 = arith.constant 64 : i32
    %add3A_517 = arith.addi %mul3A_2, %add3A_516 : i32
    %dma_wait3A_518 = arith.constant 0 : i32
    %dma_wait3A_519 = arith.constant 128 : i32
    %dma_wait3A_520 = tpu.memref_slice %arg3[%add3A_517, %dma_wait3A_519] : memref<4096x8192xf32, #tpu.memory_space<hbm>> -> memref<16x2688xf32, #tpu.memory_space<hbm>>
    %dma_wait3A_521 = arith.constant 0 : i32
    %dma_wait3A_522 = arith.constant 0 : i32
    %dma_wait3A_523 = tpu.memref_slice %arg4[%arg1, %dma_wait3A_518, %dma_wait3A_521, %dma_wait3A_522] : memref<16x2x16x2688xf32, #tpu.memory_space<vmem_shared>> -> memref<1x1x16x2688xf32, #tpu.memory_space<vmem_shared>>
    %dma_wait3A_524 = tpu.memref_squeeze %dma_wait3A_523 : memref<1x1x16x2688xf32, #tpu.memory_space<vmem_shared>> -> memref<16x2688xf32, #tpu.memory_space<vmem_shared>>
    tpu.wait_dma2 semaphore(%arg9 : memref<!tpu.dma_semaphore, #tpu.memory_space<semaphore_mem>>) src(%dma_wait3A_524 : memref<16x2688xf32, #tpu.memory_space<vmem_shared>>) dst(%dma_wait3A_520 : memref<16x2688xf32, #tpu.memory_space<hbm>>)
    %add3A_525 = arith.constant 64 : i32
    %add3A_526 = arith.addi %mul3A_2, %add3A_525 : i32
    %dma_start3A_527 = arith.constant 0 : i32
    %dma_start3A_528 = arith.constant 0 : i32
    %dma_start3A_529 = arith.constant 0 : i32
    %dma_start3A_530 = tpu.memref_slice %arg4[%arg1, %dma_start3A_527, %dma_start3A_528, %dma_start3A_529] : memref<16x2x16x2688xf32, #tpu.memory_space<vmem_shared>> -> memref<1x1x16x2560xf32, #tpu.memory_space<vmem_shared>>
    %dma_start3A_531 = tpu.memref_squeeze %dma_start3A_530 : memref<1x1x16x2560xf32, #tpu.memory_space<vmem_shared>> -> memref<16x2560xf32, #tpu.memory_space<vmem_shared>>
    %dma_start3A_532 = arith.constant 5504 : i32
    %dma_start3A_533 = tpu.memref_slice %arg2[%add3A_526, %dma_start3A_532] : memref<4096x8192xf32, #tpu.memory_space<hbm>> -> memref<16x2560xf32, #tpu.memory_space<hbm>>
    tpu.enqueue_dma source(%dma_start3A_533 : memref<16x2560xf32, #tpu.memory_space<hbm>>) target(%dma_start3A_531 : memref<16x2560xf32, #tpu.memory_space<vmem_shared>>) target_semaphore(%arg7 : memref<!tpu.dma_semaphore, #tpu.memory_space<semaphore_mem>>)
    %add3A_534 = arith.constant 64 : i32
    %add3A_535 = arith.addi %mul3A_2, %add3A_534 : i32
    %dma_wait3A_536 = arith.constant 0 : i32
    %dma_wait3A_537 = arith.constant 0 : i32
    %dma_wait3A_538 = arith.constant 0 : i32
    %dma_wait3A_539 = tpu.memref_slice %arg4[%arg1, %dma_wait3A_536, %dma_wait3A_537, %dma_wait3A_538] : memref<16x2x16x2688xf32, #tpu.memory_space<vmem_shared>> -> memref<1x1x16x2560xf32, #tpu.memory_space<vmem_shared>>
    %dma_wait3A_540 = tpu.memref_squeeze %dma_wait3A_539 : memref<1x1x16x2560xf32, #tpu.memory_space<vmem_shared>> -> memref<16x2560xf32, #tpu.memory_space<vmem_shared>>
    %dma_wait3A_541 = arith.constant 5504 : i32
    %dma_wait3A_542 = tpu.memref_slice %arg2[%add3A_535, %dma_wait3A_541] : memref<4096x8192xf32, #tpu.memory_space<hbm>> -> memref<16x2560xf32, #tpu.memory_space<hbm>>
    tpu.wait_dma2 semaphore(%arg7 : memref<!tpu.dma_semaphore, #tpu.memory_space<semaphore_mem>>) src(%dma_wait3A_542 : memref<16x2560xf32, #tpu.memory_space<hbm>>) dst(%dma_wait3A_540 : memref<16x2560xf32, #tpu.memory_space<vmem_shared>>)
    %add3A_543 = arith.constant 64 : i32
    %add3A_544 = arith.addi %mul3A_2, %add3A_543 : i32
    %dma_start3A_545 = arith.constant 0 : i32
    %dma_start3A_546 = arith.constant 5504 : i32
    %dma_start3A_547 = tpu.memref_slice %arg3[%add3A_544, %dma_start3A_546] : memref<4096x8192xf32, #tpu.memory_space<hbm>> -> memref<16x2560xf32, #tpu.memory_space<hbm>>
    %dma_start3A_548 = arith.constant 0 : i32
    %dma_start3A_549 = arith.constant 0 : i32
    %dma_start3A_550 = tpu.memref_slice %arg4[%arg1, %dma_start3A_545, %dma_start3A_548, %dma_start3A_549] : memref<16x2x16x2688xf32, #tpu.memory_space<vmem_shared>> -> memref<1x1x16x2560xf32, #tpu.memory_space<vmem_shared>>
    %dma_start3A_551 = tpu.memref_squeeze %dma_start3A_550 : memref<1x1x16x2560xf32, #tpu.memory_space<vmem_shared>> -> memref<16x2560xf32, #tpu.memory_space<vmem_shared>>
    tpu.enqueue_dma source(%dma_start3A_551 : memref<16x2560xf32, #tpu.memory_space<vmem_shared>>) target(%dma_start3A_547 : memref<16x2560xf32, #tpu.memory_space<hbm>>) target_semaphore(%arg9 : memref<!tpu.dma_semaphore, #tpu.memory_space<semaphore_mem>>)
    %add3A_552 = arith.constant 64 : i32
    %add3A_553 = arith.addi %mul3A_2, %add3A_552 : i32
    %dma_wait3A_554 = arith.constant 1 : i32
    %dma_wait3A_555 = arith.constant 2816 : i32
    %dma_wait3A_556 = tpu.memref_slice %arg3[%add3A_553, %dma_wait3A_555] : memref<4096x8192xf32, #tpu.memory_space<hbm>> -> memref<16x2688xf32, #tpu.memory_space<hbm>>
    %dma_wait3A_557 = arith.constant 0 : i32
    %dma_wait3A_558 = arith.constant 0 : i32
    %dma_wait3A_559 = tpu.memref_slice %arg4[%arg1, %dma_wait3A_554, %dma_wait3A_557, %dma_wait3A_558] : memref<16x2x16x2688xf32, #tpu.memory_space<vmem_shared>> -> memref<1x1x16x2688xf32, #tpu.memory_space<vmem_shared>>
    %dma_wait3A_560 = tpu.memref_squeeze %dma_wait3A_559 : memref<1x1x16x2688xf32, #tpu.memory_space<vmem_shared>> -> memref<16x2688xf32, #tpu.memory_space<vmem_shared>>
    tpu.wait_dma2 semaphore(%arg10 : memref<!tpu.dma_semaphore, #tpu.memory_space<semaphore_mem>>) src(%dma_wait3A_560 : memref<16x2688xf32, #tpu.memory_space<vmem_shared>>) dst(%dma_wait3A_556 : memref<16x2688xf32, #tpu.memory_space<hbm>>)
    %add3A_561 = arith.constant 80 : i32
    %add3A_562 = arith.addi %mul3A_2, %add3A_561 : i32
    %dma_start3A_563 = arith.constant 1 : i32
    %dma_start3A_564 = arith.constant 0 : i32
    %dma_start3A_565 = arith.constant 0 : i32
    %dma_start3A_566 = tpu.memref_slice %arg4[%arg1, %dma_start3A_563, %dma_start3A_564, %dma_start3A_565] : memref<16x2x16x2688xf32, #tpu.memory_space<vmem_shared>> -> memref<1x1x16x2688xf32, #tpu.memory_space<vmem_shared>>
    %dma_start3A_567 = tpu.memref_squeeze %dma_start3A_566 : memref<1x1x16x2688xf32, #tpu.memory_space<vmem_shared>> -> memref<16x2688xf32, #tpu.memory_space<vmem_shared>>
    %dma_start3A_568 = arith.constant 128 : i32
    %dma_start3A_569 = tpu.memref_slice %arg2[%add3A_562, %dma_start3A_568] : memref<4096x8192xf32, #tpu.memory_space<hbm>> -> memref<16x2688xf32, #tpu.memory_space<hbm>>
    tpu.enqueue_dma source(%dma_start3A_569 : memref<16x2688xf32, #tpu.memory_space<hbm>>) target(%dma_start3A_567 : memref<16x2688xf32, #tpu.memory_space<vmem_shared>>) target_semaphore(%arg8 : memref<!tpu.dma_semaphore, #tpu.memory_space<semaphore_mem>>)
    %add3A_570 = arith.constant 80 : i32
    %add3A_571 = arith.addi %mul3A_2, %add3A_570 : i32
    %dma_wait3A_572 = arith.constant 1 : i32
    %dma_wait3A_573 = arith.constant 0 : i32
    %dma_wait3A_574 = arith.constant 0 : i32
    %dma_wait3A_575 = tpu.memref_slice %arg4[%arg1, %dma_wait3A_572, %dma_wait3A_573, %dma_wait3A_574] : memref<16x2x16x2688xf32, #tpu.memory_space<vmem_shared>> -> memref<1x1x16x2688xf32, #tpu.memory_space<vmem_shared>>
    %dma_wait3A_576 = tpu.memref_squeeze %dma_wait3A_575 : memref<1x1x16x2688xf32, #tpu.memory_space<vmem_shared>> -> memref<16x2688xf32, #tpu.memory_space<vmem_shared>>
    %dma_wait3A_577 = arith.constant 128 : i32
    %dma_wait3A_578 = tpu.memref_slice %arg2[%add3A_571, %dma_wait3A_577] : memref<4096x8192xf32, #tpu.memory_space<hbm>> -> memref<16x2688xf32, #tpu.memory_space<hbm>>
    tpu.wait_dma2 semaphore(%arg8 : memref<!tpu.dma_semaphore, #tpu.memory_space<semaphore_mem>>) src(%dma_wait3A_578 : memref<16x2688xf32, #tpu.memory_space<hbm>>) dst(%dma_wait3A_576 : memref<16x2688xf32, #tpu.memory_space<vmem_shared>>)
    %add3A_579 = arith.constant 80 : i32
    %add3A_580 = arith.addi %mul3A_2, %add3A_579 : i32
    %dma_start3A_581 = arith.constant 1 : i32
    %dma_start3A_582 = arith.constant 128 : i32
    %dma_start3A_583 = tpu.memref_slice %arg3[%add3A_580, %dma_start3A_582] : memref<4096x8192xf32, #tpu.memory_space<hbm>> -> memref<16x2688xf32, #tpu.memory_space<hbm>>
    %dma_start3A_584 = arith.constant 0 : i32
    %dma_start3A_585 = arith.constant 0 : i32
    %dma_start3A_586 = tpu.memref_slice %arg4[%arg1, %dma_start3A_581, %dma_start3A_584, %dma_start3A_585] : memref<16x2x16x2688xf32, #tpu.memory_space<vmem_shared>> -> memref<1x1x16x2688xf32, #tpu.memory_space<vmem_shared>>
    %dma_start3A_587 = tpu.memref_squeeze %dma_start3A_586 : memref<1x1x16x2688xf32, #tpu.memory_space<vmem_shared>> -> memref<16x2688xf32, #tpu.memory_space<vmem_shared>>
    tpu.enqueue_dma source(%dma_start3A_587 : memref<16x2688xf32, #tpu.memory_space<vmem_shared>>) target(%dma_start3A_583 : memref<16x2688xf32, #tpu.memory_space<hbm>>) target_semaphore(%arg10 : memref<!tpu.dma_semaphore, #tpu.memory_space<semaphore_mem>>)
    %add3A_588 = arith.constant 64 : i32
    %add3A_589 = arith.addi %mul3A_2, %add3A_588 : i32
    %dma_wait3A_590 = arith.constant 0 : i32
    %dma_wait3A_591 = arith.constant 5504 : i32
    %dma_wait3A_592 = tpu.memref_slice %arg3[%add3A_589, %dma_wait3A_591] : memref<4096x8192xf32, #tpu.memory_space<hbm>> -> memref<16x2560xf32, #tpu.memory_space<hbm>>
    %dma_wait3A_593 = arith.constant 0 : i32
    %dma_wait3A_594 = arith.constant 0 : i32
    %dma_wait3A_595 = tpu.memref_slice %arg4[%arg1, %dma_wait3A_590, %dma_wait3A_593, %dma_wait3A_594] : memref<16x2x16x2688xf32, #tpu.memory_space<vmem_shared>> -> memref<1x1x16x2560xf32, #tpu.memory_space<vmem_shared>>
    %dma_wait3A_596 = tpu.memref_squeeze %dma_wait3A_595 : memref<1x1x16x2560xf32, #tpu.memory_space<vmem_shared>> -> memref<16x2560xf32, #tpu.memory_space<vmem_shared>>
    tpu.wait_dma2 semaphore(%arg9 : memref<!tpu.dma_semaphore, #tpu.memory_space<semaphore_mem>>) src(%dma_wait3A_596 : memref<16x2560xf32, #tpu.memory_space<vmem_shared>>) dst(%dma_wait3A_592 : memref<16x2560xf32, #tpu.memory_space<hbm>>)
    %add3A_597 = arith.constant 80 : i32
    %add3A_598 = arith.addi %mul3A_2, %add3A_597 : i32
    %dma_start3A_599 = arith.constant 0 : i32
    %dma_start3A_600 = arith.constant 0 : i32
    %dma_start3A_601 = arith.constant 0 : i32
    %dma_start3A_602 = tpu.memref_slice %arg4[%arg1, %dma_start3A_599, %dma_start3A_600, %dma_start3A_601] : memref<16x2x16x2688xf32, #tpu.memory_space<vmem_shared>> -> memref<1x1x16x2688xf32, #tpu.memory_space<vmem_shared>>
    %dma_start3A_603 = tpu.memref_squeeze %dma_start3A_602 : memref<1x1x16x2688xf32, #tpu.memory_space<vmem_shared>> -> memref<16x2688xf32, #tpu.memory_space<vmem_shared>>
    %dma_start3A_604 = arith.constant 2816 : i32
    %dma_start3A_605 = tpu.memref_slice %arg2[%add3A_598, %dma_start3A_604] : memref<4096x8192xf32, #tpu.memory_space<hbm>> -> memref<16x2688xf32, #tpu.memory_space<hbm>>
    tpu.enqueue_dma source(%dma_start3A_605 : memref<16x2688xf32, #tpu.memory_space<hbm>>) target(%dma_start3A_603 : memref<16x2688xf32, #tpu.memory_space<vmem_shared>>) target_semaphore(%arg7 : memref<!tpu.dma_semaphore, #tpu.memory_space<semaphore_mem>>)
    %add3A_606 = arith.constant 80 : i32
    %add3A_607 = arith.addi %mul3A_2, %add3A_606 : i32
    %dma_wait3A_608 = arith.constant 0 : i32
    %dma_wait3A_609 = arith.constant 0 : i32
    %dma_wait3A_610 = arith.constant 0 : i32
    %dma_wait3A_611 = tpu.memref_slice %arg4[%arg1, %dma_wait3A_608, %dma_wait3A_609, %dma_wait3A_610] : memref<16x2x16x2688xf32, #tpu.memory_space<vmem_shared>> -> memref<1x1x16x2688xf32, #tpu.memory_space<vmem_shared>>
    %dma_wait3A_612 = tpu.memref_squeeze %dma_wait3A_611 : memref<1x1x16x2688xf32, #tpu.memory_space<vmem_shared>> -> memref<16x2688xf32, #tpu.memory_space<vmem_shared>>
    %dma_wait3A_613 = arith.constant 2816 : i32
    %dma_wait3A_614 = tpu.memref_slice %arg2[%add3A_607, %dma_wait3A_613] : memref<4096x8192xf32, #tpu.memory_space<hbm>> -> memref<16x2688xf32, #tpu.memory_space<hbm>>
    tpu.wait_dma2 semaphore(%arg7 : memref<!tpu.dma_semaphore, #tpu.memory_space<semaphore_mem>>) src(%dma_wait3A_614 : memref<16x2688xf32, #tpu.memory_space<hbm>>) dst(%dma_wait3A_612 : memref<16x2688xf32, #tpu.memory_space<vmem_shared>>)
    %add3A_615 = arith.constant 80 : i32
    %add3A_616 = arith.addi %mul3A_2, %add3A_615 : i32
    %dma_start3A_617 = arith.constant 0 : i32
    %dma_start3A_618 = arith.constant 2816 : i32
    %dma_start3A_619 = tpu.memref_slice %arg3[%add3A_616, %dma_start3A_618] : memref<4096x8192xf32, #tpu.memory_space<hbm>> -> memref<16x2688xf32, #tpu.memory_space<hbm>>
    %dma_start3A_620 = arith.constant 0 : i32
    %dma_start3A_621 = arith.constant 0 : i32
    %dma_start3A_622 = tpu.memref_slice %arg4[%arg1, %dma_start3A_617, %dma_start3A_620, %dma_start3A_621] : memref<16x2x16x2688xf32, #tpu.memory_space<vmem_shared>> -> memref<1x1x16x2688xf32, #tpu.memory_space<vmem_shared>>
    %dma_start3A_623 = tpu.memref_squeeze %dma_start3A_622 : memref<1x1x16x2688xf32, #tpu.memory_space<vmem_shared>> -> memref<16x2688xf32, #tpu.memory_space<vmem_shared>>
    tpu.enqueue_dma source(%dma_start3A_623 : memref<16x2688xf32, #tpu.memory_space<vmem_shared>>) target(%dma_start3A_619 : memref<16x2688xf32, #tpu.memory_space<hbm>>) target_semaphore(%arg9 : memref<!tpu.dma_semaphore, #tpu.memory_space<semaphore_mem>>)
    %add3A_624 = arith.constant 80 : i32
    %add3A_625 = arith.addi %mul3A_2, %add3A_624 : i32
    %dma_wait3A_626 = arith.constant 1 : i32
    %dma_wait3A_627 = arith.constant 128 : i32
    %dma_wait3A_628 = tpu.memref_slice %arg3[%add3A_625, %dma_wait3A_627] : memref<4096x8192xf32, #tpu.memory_space<hbm>> -> memref<16x2688xf32, #tpu.memory_space<hbm>>
    %dma_wait3A_629 = arith.constant 0 : i32
    %dma_wait3A_630 = arith.constant 0 : i32
    %dma_wait3A_631 = tpu.memref_slice %arg4[%arg1, %dma_wait3A_626, %dma_wait3A_629, %dma_wait3A_630] : memref<16x2x16x2688xf32, #tpu.memory_space<vmem_shared>> -> memref<1x1x16x2688xf32, #tpu.memory_space<vmem_shared>>
    %dma_wait3A_632 = tpu.memref_squeeze %dma_wait3A_631 : memref<1x1x16x2688xf32, #tpu.memory_space<vmem_shared>> -> memref<16x2688xf32, #tpu.memory_space<vmem_shared>>
    tpu.wait_dma2 semaphore(%arg10 : memref<!tpu.dma_semaphore, #tpu.memory_space<semaphore_mem>>) src(%dma_wait3A_632 : memref<16x2688xf32, #tpu.memory_space<vmem_shared>>) dst(%dma_wait3A_628 : memref<16x2688xf32, #tpu.memory_space<hbm>>)
    %add3A_633 = arith.constant 80 : i32
    %add3A_634 = arith.addi %mul3A_2, %add3A_633 : i32
    %dma_start3A_635 = arith.constant 1 : i32
    %dma_start3A_636 = arith.constant 0 : i32
    %dma_start3A_637 = arith.constant 0 : i32
    %dma_start3A_638 = tpu.memref_slice %arg4[%arg1, %dma_start3A_635, %dma_start3A_636, %dma_start3A_637] : memref<16x2x16x2688xf32, #tpu.memory_space<vmem_shared>> -> memref<1x1x16x2560xf32, #tpu.memory_space<vmem_shared>>
    %dma_start3A_639 = tpu.memref_squeeze %dma_start3A_638 : memref<1x1x16x2560xf32, #tpu.memory_space<vmem_shared>> -> memref<16x2560xf32, #tpu.memory_space<vmem_shared>>
    %dma_start3A_640 = arith.constant 5504 : i32
    %dma_start3A_641 = tpu.memref_slice %arg2[%add3A_634, %dma_start3A_640] : memref<4096x8192xf32, #tpu.memory_space<hbm>> -> memref<16x2560xf32, #tpu.memory_space<hbm>>
    tpu.enqueue_dma source(%dma_start3A_641 : memref<16x2560xf32, #tpu.memory_space<hbm>>) target(%dma_start3A_639 : memref<16x2560xf32, #tpu.memory_space<vmem_shared>>) target_semaphore(%arg8 : memref<!tpu.dma_semaphore, #tpu.memory_space<semaphore_mem>>)
    %add3A_642 = arith.constant 80 : i32
    %add3A_643 = arith.addi %mul3A_2, %add3A_642 : i32
    %dma_wait3A_644 = arith.constant 1 : i32
    %dma_wait3A_645 = arith.constant 0 : i32
    %dma_wait3A_646 = arith.constant 0 : i32
    %dma_wait3A_647 = tpu.memref_slice %arg4[%arg1, %dma_wait3A_644, %dma_wait3A_645, %dma_wait3A_646] : memref<16x2x16x2688xf32, #tpu.memory_space<vmem_shared>> -> memref<1x1x16x2560xf32, #tpu.memory_space<vmem_shared>>
    %dma_wait3A_648 = tpu.memref_squeeze %dma_wait3A_647 : memref<1x1x16x2560xf32, #tpu.memory_space<vmem_shared>> -> memref<16x2560xf32, #tpu.memory_space<vmem_shared>>
    %dma_wait3A_649 = arith.constant 5504 : i32
    %dma_wait3A_650 = tpu.memref_slice %arg2[%add3A_643, %dma_wait3A_649] : memref<4096x8192xf32, #tpu.memory_space<hbm>> -> memref<16x2560xf32, #tpu.memory_space<hbm>>
    tpu.wait_dma2 semaphore(%arg8 : memref<!tpu.dma_semaphore, #tpu.memory_space<semaphore_mem>>) src(%dma_wait3A_650 : memref<16x2560xf32, #tpu.memory_space<hbm>>) dst(%dma_wait3A_648 : memref<16x2560xf32, #tpu.memory_space<vmem_shared>>)
    %add3A_651 = arith.constant 80 : i32
    %add3A_652 = arith.addi %mul3A_2, %add3A_651 : i32
    %dma_start3A_653 = arith.constant 1 : i32
    %dma_start3A_654 = arith.constant 5504 : i32
    %dma_start3A_655 = tpu.memref_slice %arg3[%add3A_652, %dma_start3A_654] : memref<4096x8192xf32, #tpu.memory_space<hbm>> -> memref<16x2560xf32, #tpu.memory_space<hbm>>
    %dma_start3A_656 = arith.constant 0 : i32
    %dma_start3A_657 = arith.constant 0 : i32
    %dma_start3A_658 = tpu.memref_slice %arg4[%arg1, %dma_start3A_653, %dma_start3A_656, %dma_start3A_657] : memref<16x2x16x2688xf32, #tpu.memory_space<vmem_shared>> -> memref<1x1x16x2560xf32, #tpu.memory_space<vmem_shared>>
    %dma_start3A_659 = tpu.memref_squeeze %dma_start3A_658 : memref<1x1x16x2560xf32, #tpu.memory_space<vmem_shared>> -> memref<16x2560xf32, #tpu.memory_space<vmem_shared>>
    tpu.enqueue_dma source(%dma_start3A_659 : memref<16x2560xf32, #tpu.memory_space<vmem_shared>>) target(%dma_start3A_655 : memref<16x2560xf32, #tpu.memory_space<hbm>>) target_semaphore(%arg10 : memref<!tpu.dma_semaphore, #tpu.memory_space<semaphore_mem>>)
    %add3A_660 = arith.constant 80 : i32
    %add3A_661 = arith.addi %mul3A_2, %add3A_660 : i32
    %dma_wait3A_662 = arith.constant 0 : i32
    %dma_wait3A_663 = arith.constant 2816 : i32
    %dma_wait3A_664 = tpu.memref_slice %arg3[%add3A_661, %dma_wait3A_663] : memref<4096x8192xf32, #tpu.memory_space<hbm>> -> memref<16x2688xf32, #tpu.memory_space<hbm>>
    %dma_wait3A_665 = arith.constant 0 : i32
    %dma_wait3A_666 = arith.constant 0 : i32
    %dma_wait3A_667 = tpu.memref_slice %arg4[%arg1, %dma_wait3A_662, %dma_wait3A_665, %dma_wait3A_666] : memref<16x2x16x2688xf32, #tpu.memory_space<vmem_shared>> -> memref<1x1x16x2688xf32, #tpu.memory_space<vmem_shared>>
    %dma_wait3A_668 = tpu.memref_squeeze %dma_wait3A_667 : memref<1x1x16x2688xf32, #tpu.memory_space<vmem_shared>> -> memref<16x2688xf32, #tpu.memory_space<vmem_shared>>
    tpu.wait_dma2 semaphore(%arg9 : memref<!tpu.dma_semaphore, #tpu.memory_space<semaphore_mem>>) src(%dma_wait3A_668 : memref<16x2688xf32, #tpu.memory_space<vmem_shared>>) dst(%dma_wait3A_664 : memref<16x2688xf32, #tpu.memory_space<hbm>>)
    %add3A_669 = arith.constant 96 : i32
    %add3A_670 = arith.addi %mul3A_2, %add3A_669 : i32
    %dma_start3A_671 = arith.constant 0 : i32
    %dma_start3A_672 = arith.constant 0 : i32
    %dma_start3A_673 = arith.constant 0 : i32
    %dma_start3A_674 = tpu.memref_slice %arg4[%arg1, %dma_start3A_671, %dma_start3A_672, %dma_start3A_673] : memref<16x2x16x2688xf32, #tpu.memory_space<vmem_shared>> -> memref<1x1x16x2688xf32, #tpu.memory_space<vmem_shared>>
    %dma_start3A_675 = tpu.memref_squeeze %dma_start3A_674 : memref<1x1x16x2688xf32, #tpu.memory_space<vmem_shared>> -> memref<16x2688xf32, #tpu.memory_space<vmem_shared>>
    %dma_start3A_676 = arith.constant 128 : i32
    %dma_start3A_677 = tpu.memref_slice %arg2[%add3A_670, %dma_start3A_676] : memref<4096x8192xf32, #tpu.memory_space<hbm>> -> memref<16x2688xf32, #tpu.memory_space<hbm>>
    tpu.enqueue_dma source(%dma_start3A_677 : memref<16x2688xf32, #tpu.memory_space<hbm>>) target(%dma_start3A_675 : memref<16x2688xf32, #tpu.memory_space<vmem_shared>>) target_semaphore(%arg7 : memref<!tpu.dma_semaphore, #tpu.memory_space<semaphore_mem>>)
    %add3A_678 = arith.constant 96 : i32
    %add3A_679 = arith.addi %mul3A_2, %add3A_678 : i32
    %dma_wait3A_680 = arith.constant 0 : i32
    %dma_wait3A_681 = arith.constant 0 : i32
    %dma_wait3A_682 = arith.constant 0 : i32
    %dma_wait3A_683 = tpu.memref_slice %arg4[%arg1, %dma_wait3A_680, %dma_wait3A_681, %dma_wait3A_682] : memref<16x2x16x2688xf32, #tpu.memory_space<vmem_shared>> -> memref<1x1x16x2688xf32, #tpu.memory_space<vmem_shared>>
    %dma_wait3A_684 = tpu.memref_squeeze %dma_wait3A_683 : memref<1x1x16x2688xf32, #tpu.memory_space<vmem_shared>> -> memref<16x2688xf32, #tpu.memory_space<vmem_shared>>
    %dma_wait3A_685 = arith.constant 128 : i32
    %dma_wait3A_686 = tpu.memref_slice %arg2[%add3A_679, %dma_wait3A_685] : memref<4096x8192xf32, #tpu.memory_space<hbm>> -> memref<16x2688xf32, #tpu.memory_space<hbm>>
    tpu.wait_dma2 semaphore(%arg7 : memref<!tpu.dma_semaphore, #tpu.memory_space<semaphore_mem>>) src(%dma_wait3A_686 : memref<16x2688xf32, #tpu.memory_space<hbm>>) dst(%dma_wait3A_684 : memref<16x2688xf32, #tpu.memory_space<vmem_shared>>)
    %add3A_687 = arith.constant 96 : i32
    %add3A_688 = arith.addi %mul3A_2, %add3A_687 : i32
    %dma_start3A_689 = arith.constant 0 : i32
    %dma_start3A_690 = arith.constant 128 : i32
    %dma_start3A_691 = tpu.memref_slice %arg3[%add3A_688, %dma_start3A_690] : memref<4096x8192xf32, #tpu.memory_space<hbm>> -> memref<16x2688xf32, #tpu.memory_space<hbm>>
    %dma_start3A_692 = arith.constant 0 : i32
    %dma_start3A_693 = arith.constant 0 : i32
    %dma_start3A_694 = tpu.memref_slice %arg4[%arg1, %dma_start3A_689, %dma_start3A_692, %dma_start3A_693] : memref<16x2x16x2688xf32, #tpu.memory_space<vmem_shared>> -> memref<1x1x16x2688xf32, #tpu.memory_space<vmem_shared>>
    %dma_start3A_695 = tpu.memref_squeeze %dma_start3A_694 : memref<1x1x16x2688xf32, #tpu.memory_space<vmem_shared>> -> memref<16x2688xf32, #tpu.memory_space<vmem_shared>>
    tpu.enqueue_dma source(%dma_start3A_695 : memref<16x2688xf32, #tpu.memory_space<vmem_shared>>) target(%dma_start3A_691 : memref<16x2688xf32, #tpu.memory_space<hbm>>) target_semaphore(%arg9 : memref<!tpu.dma_semaphore, #tpu.memory_space<semaphore_mem>>)
    %add3A_696 = arith.constant 80 : i32
    %add3A_697 = arith.addi %mul3A_2, %add3A_696 : i32
    %dma_wait3A_698 = arith.constant 1 : i32
    %dma_wait3A_699 = arith.constant 5504 : i32
    %dma_wait3A_700 = tpu.memref_slice %arg3[%add3A_697, %dma_wait3A_699] : memref<4096x8192xf32, #tpu.memory_space<hbm>> -> memref<16x2560xf32, #tpu.memory_space<hbm>>
    %dma_wait3A_701 = arith.constant 0 : i32
    %dma_wait3A_702 = arith.constant 0 : i32
    %dma_wait3A_703 = tpu.memref_slice %arg4[%arg1, %dma_wait3A_698, %dma_wait3A_701, %dma_wait3A_702] : memref<16x2x16x2688xf32, #tpu.memory_space<vmem_shared>> -> memref<1x1x16x2560xf32, #tpu.memory_space<vmem_shared>>
    %dma_wait3A_704 = tpu.memref_squeeze %dma_wait3A_703 : memref<1x1x16x2560xf32, #tpu.memory_space<vmem_shared>> -> memref<16x2560xf32, #tpu.memory_space<vmem_shared>>
    tpu.wait_dma2 semaphore(%arg10 : memref<!tpu.dma_semaphore, #tpu.memory_space<semaphore_mem>>) src(%dma_wait3A_704 : memref<16x2560xf32, #tpu.memory_space<vmem_shared>>) dst(%dma_wait3A_700 : memref<16x2560xf32, #tpu.memory_space<hbm>>)
    %add3A_705 = arith.constant 96 : i32
    %add3A_706 = arith.addi %mul3A_2, %add3A_705 : i32
    %dma_start3A_707 = arith.constant 1 : i32
    %dma_start3A_708 = arith.constant 0 : i32
    %dma_start3A_709 = arith.constant 0 : i32
    %dma_start3A_710 = tpu.memref_slice %arg4[%arg1, %dma_start3A_707, %dma_start3A_708, %dma_start3A_709] : memref<16x2x16x2688xf32, #tpu.memory_space<vmem_shared>> -> memref<1x1x16x2688xf32, #tpu.memory_space<vmem_shared>>
    %dma_start3A_711 = tpu.memref_squeeze %dma_start3A_710 : memref<1x1x16x2688xf32, #tpu.memory_space<vmem_shared>> -> memref<16x2688xf32, #tpu.memory_space<vmem_shared>>
    %dma_start3A_712 = arith.constant 2816 : i32
    %dma_start3A_713 = tpu.memref_slice %arg2[%add3A_706, %dma_start3A_712] : memref<4096x8192xf32, #tpu.memory_space<hbm>> -> memref<16x2688xf32, #tpu.memory_space<hbm>>
    tpu.enqueue_dma source(%dma_start3A_713 : memref<16x2688xf32, #tpu.memory_space<hbm>>) target(%dma_start3A_711 : memref<16x2688xf32, #tpu.memory_space<vmem_shared>>) target_semaphore(%arg8 : memref<!tpu.dma_semaphore, #tpu.memory_space<semaphore_mem>>)
    %add3A_714 = arith.constant 96 : i32
    %add3A_715 = arith.addi %mul3A_2, %add3A_714 : i32
    %dma_wait3A_716 = arith.constant 1 : i32
    %dma_wait3A_717 = arith.constant 0 : i32
    %dma_wait3A_718 = arith.constant 0 : i32
    %dma_wait3A_719 = tpu.memref_slice %arg4[%arg1, %dma_wait3A_716, %dma_wait3A_717, %dma_wait3A_718] : memref<16x2x16x2688xf32, #tpu.memory_space<vmem_shared>> -> memref<1x1x16x2688xf32, #tpu.memory_space<vmem_shared>>
    %dma_wait3A_720 = tpu.memref_squeeze %dma_wait3A_719 : memref<1x1x16x2688xf32, #tpu.memory_space<vmem_shared>> -> memref<16x2688xf32, #tpu.memory_space<vmem_shared>>
    %dma_wait3A_721 = arith.constant 2816 : i32
    %dma_wait3A_722 = tpu.memref_slice %arg2[%add3A_715, %dma_wait3A_721] : memref<4096x8192xf32, #tpu.memory_space<hbm>> -> memref<16x2688xf32, #tpu.memory_space<hbm>>
    tpu.wait_dma2 semaphore(%arg8 : memref<!tpu.dma_semaphore, #tpu.memory_space<semaphore_mem>>) src(%dma_wait3A_722 : memref<16x2688xf32, #tpu.memory_space<hbm>>) dst(%dma_wait3A_720 : memref<16x2688xf32, #tpu.memory_space<vmem_shared>>)
    %add3A_723 = arith.constant 96 : i32
    %add3A_724 = arith.addi %mul3A_2, %add3A_723 : i32
    %dma_start3A_725 = arith.constant 1 : i32
    %dma_start3A_726 = arith.constant 2816 : i32
    %dma_start3A_727 = tpu.memref_slice %arg3[%add3A_724, %dma_start3A_726] : memref<4096x8192xf32, #tpu.memory_space<hbm>> -> memref<16x2688xf32, #tpu.memory_space<hbm>>
    %dma_start3A_728 = arith.constant 0 : i32
    %dma_start3A_729 = arith.constant 0 : i32
    %dma_start3A_730 = tpu.memref_slice %arg4[%arg1, %dma_start3A_725, %dma_start3A_728, %dma_start3A_729] : memref<16x2x16x2688xf32, #tpu.memory_space<vmem_shared>> -> memref<1x1x16x2688xf32, #tpu.memory_space<vmem_shared>>
    %dma_start3A_731 = tpu.memref_squeeze %dma_start3A_730 : memref<1x1x16x2688xf32, #tpu.memory_space<vmem_shared>> -> memref<16x2688xf32, #tpu.memory_space<vmem_shared>>
    tpu.enqueue_dma source(%dma_start3A_731 : memref<16x2688xf32, #tpu.memory_space<vmem_shared>>) target(%dma_start3A_727 : memref<16x2688xf32, #tpu.memory_space<hbm>>) target_semaphore(%arg10 : memref<!tpu.dma_semaphore, #tpu.memory_space<semaphore_mem>>)
    %add3A_732 = arith.constant 96 : i32
    %add3A_733 = arith.addi %mul3A_2, %add3A_732 : i32
    %dma_wait3A_734 = arith.constant 0 : i32
    %dma_wait3A_735 = arith.constant 128 : i32
    %dma_wait3A_736 = tpu.memref_slice %arg3[%add3A_733, %dma_wait3A_735] : memref<4096x8192xf32, #tpu.memory_space<hbm>> -> memref<16x2688xf32, #tpu.memory_space<hbm>>
    %dma_wait3A_737 = arith.constant 0 : i32
    %dma_wait3A_738 = arith.constant 0 : i32
    %dma_wait3A_739 = tpu.memref_slice %arg4[%arg1, %dma_wait3A_734, %dma_wait3A_737, %dma_wait3A_738] : memref<16x2x16x2688xf32, #tpu.memory_space<vmem_shared>> -> memref<1x1x16x2688xf32, #tpu.memory_space<vmem_shared>>
    %dma_wait3A_740 = tpu.memref_squeeze %dma_wait3A_739 : memref<1x1x16x2688xf32, #tpu.memory_space<vmem_shared>> -> memref<16x2688xf32, #tpu.memory_space<vmem_shared>>
    tpu.wait_dma2 semaphore(%arg9 : memref<!tpu.dma_semaphore, #tpu.memory_space<semaphore_mem>>) src(%dma_wait3A_740 : memref<16x2688xf32, #tpu.memory_space<vmem_shared>>) dst(%dma_wait3A_736 : memref<16x2688xf32, #tpu.memory_space<hbm>>)
    %add3A_741 = arith.constant 96 : i32
    %add3A_742 = arith.addi %mul3A_2, %add3A_741 : i32
    %dma_start3A_743 = arith.constant 0 : i32
    %dma_start3A_744 = arith.constant 0 : i32
    %dma_start3A_745 = arith.constant 0 : i32
    %dma_start3A_746 = tpu.memref_slice %arg4[%arg1, %dma_start3A_743, %dma_start3A_744, %dma_start3A_745] : memref<16x2x16x2688xf32, #tpu.memory_space<vmem_shared>> -> memref<1x1x16x2560xf32, #tpu.memory_space<vmem_shared>>
    %dma_start3A_747 = tpu.memref_squeeze %dma_start3A_746 : memref<1x1x16x2560xf32, #tpu.memory_space<vmem_shared>> -> memref<16x2560xf32, #tpu.memory_space<vmem_shared>>
    %dma_start3A_748 = arith.constant 5504 : i32
    %dma_start3A_749 = tpu.memref_slice %arg2[%add3A_742, %dma_start3A_748] : memref<4096x8192xf32, #tpu.memory_space<hbm>> -> memref<16x2560xf32, #tpu.memory_space<hbm>>
    tpu.enqueue_dma source(%dma_start3A_749 : memref<16x2560xf32, #tpu.memory_space<hbm>>) target(%dma_start3A_747 : memref<16x2560xf32, #tpu.memory_space<vmem_shared>>) target_semaphore(%arg7 : memref<!tpu.dma_semaphore, #tpu.memory_space<semaphore_mem>>)
    %add3A_750 = arith.constant 96 : i32
    %add3A_751 = arith.addi %mul3A_2, %add3A_750 : i32
    %dma_wait3A_752 = arith.constant 0 : i32
    %dma_wait3A_753 = arith.constant 0 : i32
    %dma_wait3A_754 = arith.constant 0 : i32
    %dma_wait3A_755 = tpu.memref_slice %arg4[%arg1, %dma_wait3A_752, %dma_wait3A_753, %dma_wait3A_754] : memref<16x2x16x2688xf32, #tpu.memory_space<vmem_shared>> -> memref<1x1x16x2560xf32, #tpu.memory_space<vmem_shared>>
    %dma_wait3A_756 = tpu.memref_squeeze %dma_wait3A_755 : memref<1x1x16x2560xf32, #tpu.memory_space<vmem_shared>> -> memref<16x2560xf32, #tpu.memory_space<vmem_shared>>
    %dma_wait3A_757 = arith.constant 5504 : i32
    %dma_wait3A_758 = tpu.memref_slice %arg2[%add3A_751, %dma_wait3A_757] : memref<4096x8192xf32, #tpu.memory_space<hbm>> -> memref<16x2560xf32, #tpu.memory_space<hbm>>
    tpu.wait_dma2 semaphore(%arg7 : memref<!tpu.dma_semaphore, #tpu.memory_space<semaphore_mem>>) src(%dma_wait3A_758 : memref<16x2560xf32, #tpu.memory_space<hbm>>) dst(%dma_wait3A_756 : memref<16x2560xf32, #tpu.memory_space<vmem_shared>>)
    %add3A_759 = arith.constant 96 : i32
    %add3A_760 = arith.addi %mul3A_2, %add3A_759 : i32
    %dma_start3A_761 = arith.constant 0 : i32
    %dma_start3A_762 = arith.constant 5504 : i32
    %dma_start3A_763 = tpu.memref_slice %arg3[%add3A_760, %dma_start3A_762] : memref<4096x8192xf32, #tpu.memory_space<hbm>> -> memref<16x2560xf32, #tpu.memory_space<hbm>>
    %dma_start3A_764 = arith.constant 0 : i32
    %dma_start3A_765 = arith.constant 0 : i32
    %dma_start3A_766 = tpu.memref_slice %arg4[%arg1, %dma_start3A_761, %dma_start3A_764, %dma_start3A_765] : memref<16x2x16x2688xf32, #tpu.memory_space<vmem_shared>> -> memref<1x1x16x2560xf32, #tpu.memory_space<vmem_shared>>
    %dma_start3A_767 = tpu.memref_squeeze %dma_start3A_766 : memref<1x1x16x2560xf32, #tpu.memory_space<vmem_shared>> -> memref<16x2560xf32, #tpu.memory_space<vmem_shared>>
    tpu.enqueue_dma source(%dma_start3A_767 : memref<16x2560xf32, #tpu.memory_space<vmem_shared>>) target(%dma_start3A_763 : memref<16x2560xf32, #tpu.memory_space<hbm>>) target_semaphore(%arg9 : memref<!tpu.dma_semaphore, #tpu.memory_space<semaphore_mem>>)
    %add3A_768 = arith.constant 96 : i32
    %add3A_769 = arith.addi %mul3A_2, %add3A_768 : i32
    %dma_wait3A_770 = arith.constant 1 : i32
    %dma_wait3A_771 = arith.constant 2816 : i32
    %dma_wait3A_772 = tpu.memref_slice %arg3[%add3A_769, %dma_wait3A_771] : memref<4096x8192xf32, #tpu.memory_space<hbm>> -> memref<16x2688xf32, #tpu.memory_space<hbm>>
    %dma_wait3A_773 = arith.constant 0 : i32
    %dma_wait3A_774 = arith.constant 0 : i32
    %dma_wait3A_775 = tpu.memref_slice %arg4[%arg1, %dma_wait3A_770, %dma_wait3A_773, %dma_wait3A_774] : memref<16x2x16x2688xf32, #tpu.memory_space<vmem_shared>> -> memref<1x1x16x2688xf32, #tpu.memory_space<vmem_shared>>
    %dma_wait3A_776 = tpu.memref_squeeze %dma_wait3A_775 : memref<1x1x16x2688xf32, #tpu.memory_space<vmem_shared>> -> memref<16x2688xf32, #tpu.memory_space<vmem_shared>>
    tpu.wait_dma2 semaphore(%arg10 : memref<!tpu.dma_semaphore, #tpu.memory_space<semaphore_mem>>) src(%dma_wait3A_776 : memref<16x2688xf32, #tpu.memory_space<vmem_shared>>) dst(%dma_wait3A_772 : memref<16x2688xf32, #tpu.memory_space<hbm>>)
    %add3A_777 = arith.constant 112 : i32
    %add3A_778 = arith.addi %mul3A_2, %add3A_777 : i32
    %dma_start3A_779 = arith.constant 1 : i32
    %dma_start3A_780 = arith.constant 0 : i32
    %dma_start3A_781 = arith.constant 0 : i32
    %dma_start3A_782 = tpu.memref_slice %arg4[%arg1, %dma_start3A_779, %dma_start3A_780, %dma_start3A_781] : memref<16x2x16x2688xf32, #tpu.memory_space<vmem_shared>> -> memref<1x1x16x2688xf32, #tpu.memory_space<vmem_shared>>
    %dma_start3A_783 = tpu.memref_squeeze %dma_start3A_782 : memref<1x1x16x2688xf32, #tpu.memory_space<vmem_shared>> -> memref<16x2688xf32, #tpu.memory_space<vmem_shared>>
    %dma_start3A_784 = arith.constant 128 : i32
    %dma_start3A_785 = tpu.memref_slice %arg2[%add3A_778, %dma_start3A_784] : memref<4096x8192xf32, #tpu.memory_space<hbm>> -> memref<16x2688xf32, #tpu.memory_space<hbm>>
    tpu.enqueue_dma source(%dma_start3A_785 : memref<16x2688xf32, #tpu.memory_space<hbm>>) target(%dma_start3A_783 : memref<16x2688xf32, #tpu.memory_space<vmem_shared>>) target_semaphore(%arg8 : memref<!tpu.dma_semaphore, #tpu.memory_space<semaphore_mem>>)
    %add3A_786 = arith.constant 112 : i32
    %add3A_787 = arith.addi %mul3A_2, %add3A_786 : i32
    %dma_wait3A_788 = arith.constant 1 : i32
    %dma_wait3A_789 = arith.constant 0 : i32
    %dma_wait3A_790 = arith.constant 0 : i32
    %dma_wait3A_791 = tpu.memref_slice %arg4[%arg1, %dma_wait3A_788, %dma_wait3A_789, %dma_wait3A_790] : memref<16x2x16x2688xf32, #tpu.memory_space<vmem_shared>> -> memref<1x1x16x2688xf32, #tpu.memory_space<vmem_shared>>
    %dma_wait3A_792 = tpu.memref_squeeze %dma_wait3A_791 : memref<1x1x16x2688xf32, #tpu.memory_space<vmem_shared>> -> memref<16x2688xf32, #tpu.memory_space<vmem_shared>>
    %dma_wait3A_793 = arith.constant 128 : i32
    %dma_wait3A_794 = tpu.memref_slice %arg2[%add3A_787, %dma_wait3A_793] : memref<4096x8192xf32, #tpu.memory_space<hbm>> -> memref<16x2688xf32, #tpu.memory_space<hbm>>
    tpu.wait_dma2 semaphore(%arg8 : memref<!tpu.dma_semaphore, #tpu.memory_space<semaphore_mem>>) src(%dma_wait3A_794 : memref<16x2688xf32, #tpu.memory_space<hbm>>) dst(%dma_wait3A_792 : memref<16x2688xf32, #tpu.memory_space<vmem_shared>>)
    %add3A_795 = arith.constant 112 : i32
    %add3A_796 = arith.addi %mul3A_2, %add3A_795 : i32
    %dma_start3A_797 = arith.constant 1 : i32
    %dma_start3A_798 = arith.constant 128 : i32
    %dma_start3A_799 = tpu.memref_slice %arg3[%add3A_796, %dma_start3A_798] : memref<4096x8192xf32, #tpu.memory_space<hbm>> -> memref<16x2688xf32, #tpu.memory_space<hbm>>
    %dma_start3A_800 = arith.constant 0 : i32
    %dma_start3A_801 = arith.constant 0 : i32
    %dma_start3A_802 = tpu.memref_slice %arg4[%arg1, %dma_start3A_797, %dma_start3A_800, %dma_start3A_801] : memref<16x2x16x2688xf32, #tpu.memory_space<vmem_shared>> -> memref<1x1x16x2688xf32, #tpu.memory_space<vmem_shared>>
    %dma_start3A_803 = tpu.memref_squeeze %dma_start3A_802 : memref<1x1x16x2688xf32, #tpu.memory_space<vmem_shared>> -> memref<16x2688xf32, #tpu.memory_space<vmem_shared>>
    tpu.enqueue_dma source(%dma_start3A_803 : memref<16x2688xf32, #tpu.memory_space<vmem_shared>>) target(%dma_start3A_799 : memref<16x2688xf32, #tpu.memory_space<hbm>>) target_semaphore(%arg10 : memref<!tpu.dma_semaphore, #tpu.memory_space<semaphore_mem>>)
    %add3A_804 = arith.constant 96 : i32
    %add3A_805 = arith.addi %mul3A_2, %add3A_804 : i32
    %dma_wait3A_806 = arith.constant 0 : i32
    %dma_wait3A_807 = arith.constant 5504 : i32
    %dma_wait3A_808 = tpu.memref_slice %arg3[%add3A_805, %dma_wait3A_807] : memref<4096x8192xf32, #tpu.memory_space<hbm>> -> memref<16x2560xf32, #tpu.memory_space<hbm>>
    %dma_wait3A_809 = arith.constant 0 : i32
    %dma_wait3A_810 = arith.constant 0 : i32
    %dma_wait3A_811 = tpu.memref_slice %arg4[%arg1, %dma_wait3A_806, %dma_wait3A_809, %dma_wait3A_810] : memref<16x2x16x2688xf32, #tpu.memory_space<vmem_shared>> -> memref<1x1x16x2560xf32, #tpu.memory_space<vmem_shared>>
    %dma_wait3A_812 = tpu.memref_squeeze %dma_wait3A_811 : memref<1x1x16x2560xf32, #tpu.memory_space<vmem_shared>> -> memref<16x2560xf32, #tpu.memory_space<vmem_shared>>
    tpu.wait_dma2 semaphore(%arg9 : memref<!tpu.dma_semaphore, #tpu.memory_space<semaphore_mem>>) src(%dma_wait3A_812 : memref<16x2560xf32, #tpu.memory_space<vmem_shared>>) dst(%dma_wait3A_808 : memref<16x2560xf32, #tpu.memory_space<hbm>>)
    %add3A_813 = arith.constant 112 : i32
    %add3A_814 = arith.addi %mul3A_2, %add3A_813 : i32
    %dma_start3A_815 = arith.constant 0 : i32
    %dma_start3A_816 = arith.constant 0 : i32
    %dma_start3A_817 = arith.constant 0 : i32
    %dma_start3A_818 = tpu.memref_slice %arg4[%arg1, %dma_start3A_815, %dma_start3A_816, %dma_start3A_817] : memref<16x2x16x2688xf32, #tpu.memory_space<vmem_shared>> -> memref<1x1x16x2688xf32, #tpu.memory_space<vmem_shared>>
    %dma_start3A_819 = tpu.memref_squeeze %dma_start3A_818 : memref<1x1x16x2688xf32, #tpu.memory_space<vmem_shared>> -> memref<16x2688xf32, #tpu.memory_space<vmem_shared>>
    %dma_start3A_820 = arith.constant 2816 : i32
    %dma_start3A_821 = tpu.memref_slice %arg2[%add3A_814, %dma_start3A_820] : memref<4096x8192xf32, #tpu.memory_space<hbm>> -> memref<16x2688xf32, #tpu.memory_space<hbm>>
    tpu.enqueue_dma source(%dma_start3A_821 : memref<16x2688xf32, #tpu.memory_space<hbm>>) target(%dma_start3A_819 : memref<16x2688xf32, #tpu.memory_space<vmem_shared>>) target_semaphore(%arg7 : memref<!tpu.dma_semaphore, #tpu.memory_space<semaphore_mem>>)
    %add3A_822 = arith.constant 112 : i32
    %add3A_823 = arith.addi %mul3A_2, %add3A_822 : i32
    %dma_wait3A_824 = arith.constant 0 : i32
    %dma_wait3A_825 = arith.constant 0 : i32
    %dma_wait3A_826 = arith.constant 0 : i32
    %dma_wait3A_827 = tpu.memref_slice %arg4[%arg1, %dma_wait3A_824, %dma_wait3A_825, %dma_wait3A_826] : memref<16x2x16x2688xf32, #tpu.memory_space<vmem_shared>> -> memref<1x1x16x2688xf32, #tpu.memory_space<vmem_shared>>
    %dma_wait3A_828 = tpu.memref_squeeze %dma_wait3A_827 : memref<1x1x16x2688xf32, #tpu.memory_space<vmem_shared>> -> memref<16x2688xf32, #tpu.memory_space<vmem_shared>>
    %dma_wait3A_829 = arith.constant 2816 : i32
    %dma_wait3A_830 = tpu.memref_slice %arg2[%add3A_823, %dma_wait3A_829] : memref<4096x8192xf32, #tpu.memory_space<hbm>> -> memref<16x2688xf32, #tpu.memory_space<hbm>>
    tpu.wait_dma2 semaphore(%arg7 : memref<!tpu.dma_semaphore, #tpu.memory_space<semaphore_mem>>) src(%dma_wait3A_830 : memref<16x2688xf32, #tpu.memory_space<hbm>>) dst(%dma_wait3A_828 : memref<16x2688xf32, #tpu.memory_space<vmem_shared>>)
    %add3A_831 = arith.constant 112 : i32
    %add3A_832 = arith.addi %mul3A_2, %add3A_831 : i32
    %dma_start3A_833 = arith.constant 0 : i32
    %dma_start3A_834 = arith.constant 2816 : i32
    %dma_start3A_835 = tpu.memref_slice %arg3[%add3A_832, %dma_start3A_834] : memref<4096x8192xf32, #tpu.memory_space<hbm>> -> memref<16x2688xf32, #tpu.memory_space<hbm>>
    %dma_start3A_836 = arith.constant 0 : i32
    %dma_start3A_837 = arith.constant 0 : i32
    %dma_start3A_838 = tpu.memref_slice %arg4[%arg1, %dma_start3A_833, %dma_start3A_836, %dma_start3A_837] : memref<16x2x16x2688xf32, #tpu.memory_space<vmem_shared>> -> memref<1x1x16x2688xf32, #tpu.memory_space<vmem_shared>>
    %dma_start3A_839 = tpu.memref_squeeze %dma_start3A_838 : memref<1x1x16x2688xf32, #tpu.memory_space<vmem_shared>> -> memref<16x2688xf32, #tpu.memory_space<vmem_shared>>
    tpu.enqueue_dma source(%dma_start3A_839 : memref<16x2688xf32, #tpu.memory_space<vmem_shared>>) target(%dma_start3A_835 : memref<16x2688xf32, #tpu.memory_space<hbm>>) target_semaphore(%arg9 : memref<!tpu.dma_semaphore, #tpu.memory_space<semaphore_mem>>)
    %add3A_840 = arith.constant 112 : i32
    %add3A_841 = arith.addi %mul3A_2, %add3A_840 : i32
    %dma_wait3A_842 = arith.constant 1 : i32
    %dma_wait3A_843 = arith.constant 128 : i32
    %dma_wait3A_844 = tpu.memref_slice %arg3[%add3A_841, %dma_wait3A_843] : memref<4096x8192xf32, #tpu.memory_space<hbm>> -> memref<16x2688xf32, #tpu.memory_space<hbm>>
    %dma_wait3A_845 = arith.constant 0 : i32
    %dma_wait3A_846 = arith.constant 0 : i32
    %dma_wait3A_847 = tpu.memref_slice %arg4[%arg1, %dma_wait3A_842, %dma_wait3A_845, %dma_wait3A_846] : memref<16x2x16x2688xf32, #tpu.memory_space<vmem_shared>> -> memref<1x1x16x2688xf32, #tpu.memory_space<vmem_shared>>
    %dma_wait3A_848 = tpu.memref_squeeze %dma_wait3A_847 : memref<1x1x16x2688xf32, #tpu.memory_space<vmem_shared>> -> memref<16x2688xf32, #tpu.memory_space<vmem_shared>>
    tpu.wait_dma2 semaphore(%arg10 : memref<!tpu.dma_semaphore, #tpu.memory_space<semaphore_mem>>) src(%dma_wait3A_848 : memref<16x2688xf32, #tpu.memory_space<vmem_shared>>) dst(%dma_wait3A_844 : memref<16x2688xf32, #tpu.memory_space<hbm>>)
    %add3A_849 = arith.constant 112 : i32
    %add3A_850 = arith.addi %mul3A_2, %add3A_849 : i32
    %dma_start3A_851 = arith.constant 1 : i32
    %dma_start3A_852 = arith.constant 0 : i32
    %dma_start3A_853 = arith.constant 0 : i32
    %dma_start3A_854 = tpu.memref_slice %arg4[%arg1, %dma_start3A_851, %dma_start3A_852, %dma_start3A_853] : memref<16x2x16x2688xf32, #tpu.memory_space<vmem_shared>> -> memref<1x1x16x2560xf32, #tpu.memory_space<vmem_shared>>
    %dma_start3A_855 = tpu.memref_squeeze %dma_start3A_854 : memref<1x1x16x2560xf32, #tpu.memory_space<vmem_shared>> -> memref<16x2560xf32, #tpu.memory_space<vmem_shared>>
    %dma_start3A_856 = arith.constant 5504 : i32
    %dma_start3A_857 = tpu.memref_slice %arg2[%add3A_850, %dma_start3A_856] : memref<4096x8192xf32, #tpu.memory_space<hbm>> -> memref<16x2560xf32, #tpu.memory_space<hbm>>
    tpu.enqueue_dma source(%dma_start3A_857 : memref<16x2560xf32, #tpu.memory_space<hbm>>) target(%dma_start3A_855 : memref<16x2560xf32, #tpu.memory_space<vmem_shared>>) target_semaphore(%arg8 : memref<!tpu.dma_semaphore, #tpu.memory_space<semaphore_mem>>)
    %add3A_858 = arith.constant 112 : i32
    %add3A_859 = arith.addi %mul3A_2, %add3A_858 : i32
    %dma_wait3A_860 = arith.constant 1 : i32
    %dma_wait3A_861 = arith.constant 0 : i32
    %dma_wait3A_862 = arith.constant 0 : i32
    %dma_wait3A_863 = tpu.memref_slice %arg4[%arg1, %dma_wait3A_860, %dma_wait3A_861, %dma_wait3A_862] : memref<16x2x16x2688xf32, #tpu.memory_space<vmem_shared>> -> memref<1x1x16x2560xf32, #tpu.memory_space<vmem_shared>>
    %dma_wait3A_864 = tpu.memref_squeeze %dma_wait3A_863 : memref<1x1x16x2560xf32, #tpu.memory_space<vmem_shared>> -> memref<16x2560xf32, #tpu.memory_space<vmem_shared>>
    %dma_wait3A_865 = arith.constant 5504 : i32
    %dma_wait3A_866 = tpu.memref_slice %arg2[%add3A_859, %dma_wait3A_865] : memref<4096x8192xf32, #tpu.memory_space<hbm>> -> memref<16x2560xf32, #tpu.memory_space<hbm>>
    tpu.wait_dma2 semaphore(%arg8 : memref<!tpu.dma_semaphore, #tpu.memory_space<semaphore_mem>>) src(%dma_wait3A_866 : memref<16x2560xf32, #tpu.memory_space<hbm>>) dst(%dma_wait3A_864 : memref<16x2560xf32, #tpu.memory_space<vmem_shared>>)
    %add3A_867 = arith.constant 112 : i32
    %add3A_868 = arith.addi %mul3A_2, %add3A_867 : i32
    %dma_start3A_869 = arith.constant 1 : i32
    %dma_start3A_870 = arith.constant 5504 : i32
    %dma_start3A_871 = tpu.memref_slice %arg3[%add3A_868, %dma_start3A_870] : memref<4096x8192xf32, #tpu.memory_space<hbm>> -> memref<16x2560xf32, #tpu.memory_space<hbm>>
    %dma_start3A_872 = arith.constant 0 : i32
    %dma_start3A_873 = arith.constant 0 : i32
    %dma_start3A_874 = tpu.memref_slice %arg4[%arg1, %dma_start3A_869, %dma_start3A_872, %dma_start3A_873] : memref<16x2x16x2688xf32, #tpu.memory_space<vmem_shared>> -> memref<1x1x16x2560xf32, #tpu.memory_space<vmem_shared>>
    %dma_start3A_875 = tpu.memref_squeeze %dma_start3A_874 : memref<1x1x16x2560xf32, #tpu.memory_space<vmem_shared>> -> memref<16x2560xf32, #tpu.memory_space<vmem_shared>>
    tpu.enqueue_dma source(%dma_start3A_875 : memref<16x2560xf32, #tpu.memory_space<vmem_shared>>) target(%dma_start3A_871 : memref<16x2560xf32, #tpu.memory_space<hbm>>) target_semaphore(%arg10 : memref<!tpu.dma_semaphore, #tpu.memory_space<semaphore_mem>>)
    %add3A_876 = arith.constant 112 : i32
    %add3A_877 = arith.addi %mul3A_2, %add3A_876 : i32
    %dma_wait3A_878 = arith.constant 0 : i32
    %dma_wait3A_879 = arith.constant 2816 : i32
    %dma_wait3A_880 = tpu.memref_slice %arg3[%add3A_877, %dma_wait3A_879] : memref<4096x8192xf32, #tpu.memory_space<hbm>> -> memref<16x2688xf32, #tpu.memory_space<hbm>>
    %dma_wait3A_881 = arith.constant 0 : i32
    %dma_wait3A_882 = arith.constant 0 : i32
    %dma_wait3A_883 = tpu.memref_slice %arg4[%arg1, %dma_wait3A_878, %dma_wait3A_881, %dma_wait3A_882] : memref<16x2x16x2688xf32, #tpu.memory_space<vmem_shared>> -> memref<1x1x16x2688xf32, #tpu.memory_space<vmem_shared>>
    %dma_wait3A_884 = tpu.memref_squeeze %dma_wait3A_883 : memref<1x1x16x2688xf32, #tpu.memory_space<vmem_shared>> -> memref<16x2688xf32, #tpu.memory_space<vmem_shared>>
    tpu.wait_dma2 semaphore(%arg9 : memref<!tpu.dma_semaphore, #tpu.memory_space<semaphore_mem>>) src(%dma_wait3A_884 : memref<16x2688xf32, #tpu.memory_space<vmem_shared>>) dst(%dma_wait3A_880 : memref<16x2688xf32, #tpu.memory_space<hbm>>)
    %add3A_885 = arith.constant 112 : i32
    %add3A_886 = arith.addi %mul3A_2, %add3A_885 : i32
    %dma_wait3A_887 = arith.constant 1 : i32
    %dma_wait3A_888 = arith.constant 5504 : i32
    %dma_wait3A_889 = tpu.memref_slice %arg3[%add3A_886, %dma_wait3A_888] : memref<4096x8192xf32, #tpu.memory_space<hbm>> -> memref<16x2560xf32, #tpu.memory_space<hbm>>
    %dma_wait3A_890 = arith.constant 0 : i32
    %dma_wait3A_891 = arith.constant 0 : i32
    %dma_wait3A_892 = tpu.memref_slice %arg4[%arg1, %dma_wait3A_887, %dma_wait3A_890, %dma_wait3A_891] : memref<16x2x16x2688xf32, #tpu.memory_space<vmem_shared>> -> memref<1x1x16x2560xf32, #tpu.memory_space<vmem_shared>>
    %dma_wait3A_893 = tpu.memref_squeeze %dma_wait3A_892 : memref<1x1x16x2560xf32, #tpu.memory_space<vmem_shared>> -> memref<16x2560xf32, #tpu.memory_space<vmem_shared>>
    tpu.wait_dma2 semaphore(%arg10 : memref<!tpu.dma_semaphore, #tpu.memory_space<semaphore_mem>>) src(%dma_wait3A_893 : memref<16x2560xf32, #tpu.memory_space<vmem_shared>>) dst(%dma_wait3A_889 : memref<16x2560xf32, #tpu.memory_space<hbm>>)
    %dma_wait3A_894 = arith.constant 0 : i32
    %dma_wait3A_895 = tpu.memref_slice %arg3[%mul3A_2, %dma_wait3A_894] : memref<4096x8192xf32, #tpu.memory_space<hbm>> -> memref<128x128xf32, #tpu.memory_space<hbm>>
    %dma_wait3A_896 = arith.constant 0 : i32
    %dma_wait3A_897 = tpu.memref_slice %arg3[%mul3A_2, %dma_wait3A_896] : memref<4096x8192xf32, #tpu.memory_space<hbm>> -> memref<128x128xf32, #tpu.memory_space<hbm>>
    tpu.wait_dma2 semaphore(%arg13 : memref<!tpu.dma_semaphore, #tpu.memory_space<semaphore_mem>>) src(%arg5 : memref<128x128xf32, #tpu.memory_space<vmem>>) dst(%dma_wait3A_897 : memref<128x128xf32, #tpu.memory_space<hbm>>)
    %dma_wait3A_898 = arith.constant 8064 : i32
    %dma_wait3A_899 = tpu.memref_slice %arg3[%mul3A_2, %dma_wait3A_898] : memref<4096x8192xf32, #tpu.memory_space<hbm>> -> memref<128x128xf32, #tpu.memory_space<hbm>>
    %dma_wait3A_900 = arith.constant 8064 : i32
    %dma_wait3A_901 = tpu.memref_slice %arg3[%mul3A_2, %dma_wait3A_900] : memref<4096x8192xf32, #tpu.memory_space<hbm>> -> memref<128x128xf32, #tpu.memory_space<hbm>>
    tpu.wait_dma2 semaphore(%arg14 : memref<!tpu.dma_semaphore, #tpu.memory_space<semaphore_mem>>) src(%arg6 : memref<128x128xf32, #tpu.memory_space<vmem>>) dst(%dma_wait3A_901 : memref<128x128xf32, #tpu.memory_space<hbm>>)
    return
  }
}

</mosaic_0001>

<sc_bundles>
// kernel: kernel.3.cloned.1.call-start
scs
__scs_entry_jumppad:
0x0: {  	(pc) =	sbr.rel $0x88, $3  }
0x1: {  	(tag) =	ssettag $0x0;
	lr =	simm.s32 $0x1  }
0x2: {  	[smem:$0x3F9E] =	sst lr;
	_ =	strace $0xD0000000  }
0x3: {  	_ = 	snop  }
0x4: {  	_ = 	snop  }
0x5: {  	_ = 	snop  }
0x6: {  	_ = 	snop  }
0x7: {  	_ = 	snop  }
__scs_overlays_trampoline_lowered:
0x8: {  	[smem:$0x3FAD] =	sst s0  }
0x9: {  	[smem:$0x3FAE] =	sst s1  }
0xa: {  	[smem:$0x3FAF] =	sst s2  }
0xb: {  	[smem:$0x3FB0] =	sst s3  }
0xc: {  	[smem:$0x3FB1] =	sst s4  }
0xd: {  	[smem:$0x3FB2] =	sst s5  }
0xe: {  	[smem:$0x3FB3] =	sst s6  }
0xf: {  	[smem:$0x3FB4] =	sst s7  }
0x10: {  	[smem:$0x3FB5] =	sst s8  }
0x11: {  	[smem:$0x3FB6] =	sst s9;
	s0 =	simm.s32 @!p0 $0x0  }
0x12: {  	s1 =	sld [smem:$0x3F9C];
	s0 =	simm.s32 @p0 $0x1  }
0x13: {  	[smem:$0x3FB7] =	sst s0;
	s0 =	simm.s32 @!p1 $0x0  }
0x14: {  	s2 =	sld [smem:$0x3F9B];
	s0 =	simm.s32 @p1 $0x1  }
0x15: {  	[smem:$0x3FB8] =	sst s0;
	s0 =	simm.s32 @!p2 $0x0  }
0x16: {  	s3 =	sld [smem:$0x3FDB];
	s0 =	simm.s32 @p2 $0x1  }
0x17: {  	s4 =	simm.s32 $0x1BF5;
	[smem:$0x3FBA] =	sst s0  }
0x18: {  	s0 =	sld [smem:$0x3F9D];
	_ =	swait.ge [sflag:s4], $0x0  }
0x19: {  	s7 =	sld [smem:$0x3F9E]  }
0x1a: {  	s8 =	sadd.s32 $0xFFFFE003, lr  }
0x1b: {  	s9 =	sadd.s32 $0xFFFFFEF7, lr;
	s5 =	simm.s32 $0xFFFFFFFF;
	p2 =	slt.u32 s8, $0xFFFFF086  }
0x1c: {  	p1 =	slt.u32 s9, $0xF7A;
	s5 =	simm.s32 @!p2 $0x0  }
0x1d: {  	s5 =	simm.s32 @p1 $0x1;
	p0 =	seq.s32 s7, s2  }
0x1e: {  	s7 =	smul.u32 @!p0 $0xF7A, s2;
	p2 =	seq.s32 @!p0 s5, $0x0  }
0x1f: {  	s9 =	smul.u32 $0xF7A, s1;
	s8 =	simm.s32 @!p0 $0x1BF5;
	p2 =	por !p2, p0  }
0x20: {  	[sflag:s8] =	ssyncset.s32 @!p0 $0xFFFFF086;
	s6 =	sadd.s32 @!p0 s3, s7;
	s7 =	simm.s32 @!p0 $0x108  }
0x21: {  	s3 =	sadd.s32 s3, s9;
	s6 =	sadd.s32 @!p0 $0x88, s6;
	s7 =	simm.s32 @p2 $0x1082  }
0x22: {  	[simem:s7], [sflag:s8] =	dma.local @!p0 [hbm:s6], $0xF7A  }
0x23: {  	s9 =	sor.u32 $0xD0000000, s2;
	s6 =	simm.s32 $0x108;
	_ =	swait.ge @!p0 [sflag:s8], $0x0  }
0x24: {  	s3 =	sadd.s32 $0x88, s3;
	s6 =	simm.s32 @!p1 $0x1082;
	[sflag:s4] =	ssyncset.s32 $0xFFFFF086  }
0x25: {  	[simem:s6], [sflag:s4] =	dma.local [hbm:s3], $0xF7A  }
0x26: {  	[smem:$0x3F9E] =	sst s1;
	(tag) =	ssettag s2;
	_ =	strace s9  }
0x27: {  	s1 =	sld [smem:$0x3FAE]  }
0x28: {  	s2 =	sld [smem:$0x3FAF]  }
0x29: {  	s4 =	sld [smem:$0x3FB1]  }
0x2a: {  	p0 =	seq.s32 s5, $0x0;
	s5 =	sld [smem:$0x3FB2]  }
0x2b: {  	s6 =	sld [smem:$0x3FB3]  }
0x2c: {  	s7 =	sld [smem:$0x3FB4]  }
0x2d: {  	s3 =	simm.s32 $0x108;
	s8 =	sld [smem:$0x3FB5]  }
0x2e: {  	s3 =	simm.s32 @!p0 $0x1082;
	s9 =	sld [smem:$0x3FB6]  }
0x2f: {  	lr =	sadd.s32 s0, s3;
	s0 =	sld [smem:$0x3FAD]  }
0x30: {  	s3 =	sld [smem:$0x3FB0]  }
0x31: {  	[smem:$0x3FB9] =	sst s10  }
0x32: {  	s10 =	sld [smem:$0x3FB7];
	_ =	sdelay $0x3  }
0x33: {  	p0 =	seq.s32 s10, $0x1;
	s10 =	sld [smem:$0x3FB9];
	_ =	sdelay $0x3  }
0x34: {  	[smem:$0x3FB9] =	sst s10  }
0x35: {  	s10 =	sld [smem:$0x3FB8];
	_ =	sdelay $0x3  }
0x36: {  	p1 =	seq.s32 s10, $0x1;
	s10 =	sld [smem:$0x3FB9];
	_ =	sdelay $0x3  }
0x37: {  	[smem:$0x3FB9] =	sst s10  }
0x38: {  	s10 =	sld [smem:$0x3FBA]  }
0x39: {  	_ = 	snop;
	(pc) =	sbr.ind lr, $3  }
0x3a: {  	_ = 	snop  }
0x3b: {  	_ = 	snop  }
0x3c: {  	p2 =	seq.s32 s10, $0x1;
	s10 =	sld [smem:$0x3FB9]  }
0x3d: {  	_ =	shalt  }
0x3e: {  	_ =	shalt  }
0x3f: {  	_ =	shalt  }
0x40: {  	_ =	shalt  }
0x41: {  	_ =	shalt  }
0x42: {  	_ =	shalt  }
0x43: {  	_ =	shalt  }
0x44: {  	_ =	shalt  }
0x45: {  	_ =	shalt  }
0x46: {  	_ =	shalt  }
0x47: {  	_ =	shalt  }
0x48: {  	_ =	shalt  }
0x49: {  	_ =	shalt  }
0x4a: {  	_ =	shalt  }
0x4b: {  	_ =	shalt  }
0x4c: {  	_ =	shalt  }
0x4d: {  	_ =	shalt  }
0x4e: {  	_ =	shalt  }
0x4f: {  	_ =	shalt  }
0x50: {  	_ =	shalt  }
0x51: {  	_ =	shalt  }
0x52: {  	_ =	shalt  }
0x53: {  	_ =	shalt  }
0x54: {  	_ =	shalt  }
0x55: {  	_ =	shalt  }
0x56: {  	_ =	shalt  }
0x57: {  	_ =	shalt  }
0x58: {  	_ =	shalt  }
0x59: {  	_ =	shalt  }
0x5a: {  	_ =	shalt  }
0x5b: {  	_ =	shalt  }
0x5c: {  	_ =	shalt  }
0x5d: {  	_ =	shalt  }
0x5e: {  	_ =	shalt  }
0x5f: {  	_ =	shalt  }
0x60: {  	_ =	shalt  }
0x61: {  	_ =	shalt  }
0x62: {  	_ =	shalt  }
0x63: {  	_ =	shalt  }
0x64: {  	_ =	shalt  }
0x65: {  	_ =	shalt  }
0x66: {  	_ =	shalt  }
0x67: {  	_ =	shalt  }
0x68: {  	_ =	shalt  }
0x69: {  	_ =	shalt  }
0x6a: {  	_ =	shalt  }
0x6b: {  	_ =	shalt  }
0x6c: {  	_ =	shalt  }
0x6d: {  	_ =	shalt  }
0x6e: {  	_ =	shalt  }
0x6f: {  	_ =	shalt  }
0x70: {  	_ =	shalt  }
0x71: {  	_ =	shalt  }
0x72: {  	_ =	shalt  }
0x73: {  	_ =	shalt  }
0x74: {  	_ =	shalt  }
0x75: {  	_ =	shalt  }
0x76: {  	_ =	shalt  }
0x77: {  	_ =	shalt  }
0x78: {  	_ =	shalt  }
0x79: {  	_ =	shalt  }
0x7a: {  	_ =	shalt  }
0x7b: {  	_ =	shalt  }
0x7c: {  	_ =	shalt  }
0x7d: {  	_ =	shalt  }
0x7e: {  	_ =	shalt  }
0x7f: {  	_ =	shalt  }
0x80: {  	_ =	shalt  }
0x81: {  	_ =	shalt  }
0x82: {  	_ =	shalt  }
0x83: {  	_ =	shalt  }
0x84: {  	_ =	shalt  }
0x85: {  	_ =	shalt  }
0x86: {  	_ =	shalt  }
0x87: {  	_ =	shalt  }
.Lfunc_end0:
.L_simem_size_0:
called_computation_lowered:
.L_overlay_start_0:
0x88: {  	s2 =	sld [smem:$0x3FD9]  }
0x89: {  	s3 =	sld [smem:$0x3FFE];
	_ =	sdelay $0x1  }
0x8a: {  	s1 =	srdreg.scid  }
0x8b: {  	s0 =	sand.u32 $0x1, s1  }
0x8c: {  	s15 =	sshll.u32 s0, $0xA;
	s2 =	sadd.s32 s3, s2  }
0x8d: {  	s2 =	sadd.s32 s2, s15  }
0x8e: {  	[smem:$0x3FC5] =	sst s2  }
0x8f: {  	_ = 	snop  }
0x90: {  	s2 =	sld [smem:$0x3FD0];
	_ =	sdelay $0x2  }
0x91: {  	s4 =	simm.s32 $0xA;
	s5 =	simm.s32 $0x10;
	s16 =	sld [smem:$0x3FC9]  }
0x92: {  	[smem:s5], [sflag:s4] =	dma.local [hbm:s2], $0x1  }
0x93: {  	_ =	swait.eq [sflag:s4], $0x1  }
0x94: {  	[sflag:s4] =	ssyncset.done $0x0  }
0x95: {  	[sflag:s4] =	ssyncadd.s32 $0xFFFFFFFF  }
0x96: {  	s17 =	sld [smem:$0x10];
	(tm) =	ssettm $0x1  }
0x97: {  	s18 =	sld [smem:$0x3FFB];
	_ =	sdelay $0x3  }
0x98: {  	_ =	strace s18  }
0x99: {  	s4 =	sld [smem:$0x3FFC];
	_ =	sdelay $0x3  }
0x9a: {  	_ =	strace s4  }
0x9b: {  	s4 =	sld [smem:$0x3FFD];
	_ =	sdelay $0x3  }
0x9c: {  	_ =	strace s4  }
0x9d: {  	_ =	strace $0x8FFFFFFF  }
0x9e: {  	s19 =	sld [smem:$0x3FDB];
	_ =	sdelay $0x1  }
0x9f: {  	s20 =	simm.s32 $_scs_section_size  }
0xa0: {  	s6 =	simm.s32 $_size__tile_overlayer_lowered;
	s7 =	simm.s32 $_tile_overlayer_lowered  }
0xa1: {  	s23 =	simm.s32 $0x1BFF;
	s22 =	sshll.u32 s7, $0x1;
	s4 =	sadd.s32 s20, s19  }
0xa2: {  	s8 =	simm.s32 $0x0;
	s21 =	sshll.u32 s6, $0x1;
	s6 =	sadd.s32 s22, s4  }
0xa3: {  	[timem:s8], [sflag:s23] =	dma.local [hbm:s6], s21  }
0xa4: {  	_ =	swait.ge [sflag:s23], s21  }
0xa5: {  	s5 =	ssub.s32 $0x0, s21;
	[sflag:s23] =	ssyncset.done $0x0  }
0xa6: {  	[sflag:s23] =	ssyncadd.s32 s5;
	_ =	sdelay $0x1  }
0xa7: {  	s24 =	simm.s32 $0x1B8B  }
0xa8: {  	_ =	swait.ge [sflag:s24], $0x1  }
0xa9: {  	[sflag:s24] =	ssyncset.done $0x0  }
0xaa: {  	s25 =	simm.s32 $0x1B8E;
	[sflag:s24] =	ssyncadd.s32 $0xFFFFFFFF  }
0xab: {  	s26 =	simm.s32 $execute0_lowered;
	[smem:$0x3FD2] =	sst s25  }
0xac: {  	s5 =	sshll.u32 s26, $0x1;
	_ =	strace $0x80000046;
	[dreg:$0x1] =	wrdreg $0xFFFFFFFF  }
0xad: {  	s28 =	simm.s32 $_size_execute0_lowered;
	s4 =	sadd.s32 s4, s5;
	[dreg:$0x0] =	wrdreg $0x0  }
0xae: {  	s5 =	sshll.u32 s28, $0x1;
	[dreg:$0x2] =	wrdreg s4  }
0xaf: {  	[dreg:$0x3] =	wrdreg s5  }
0xb0: {  	[dreg:$0x4] =	wrdreg $0xC0  }
0xb1: {  	_ =	task [dreg:s8], $0x5FFFF  }
0xb2: {  	[dreg:$0x1] =	wrdreg $0xFFFFFFFF  }
0xb3: {  	[dreg:$0x0] =	wrdreg $0x60  }
0xb4: {  	[dreg:$0x2] =	wrdreg s16  }
0xb5: {  	[dreg:$0x3] =	wrdreg s17  }
0xb6: {  	[dreg:$0x4] =	wrdreg $0x0  }
0xb7: {  	[dreg:$0x5] =	wrdreg $0x9  }
0xb8: {  	_ =	task.clear_ibuf [dreg:s8], $0x6FFFF;
	_ =	strace $0x90000046  }
0xb9: {  	s29 =	simm.s32 $0x9;
	_ =	strace $0x80000048  }
0xba: {  	_ =	swait.ge [sflag:s29], $0x1  }
0xbb: {  	[sflag:s29] =	ssyncadd.s32 $0xFFFFFFFF  }
0xbc: {  	_ =	strace $0x90000048  }
0xbd: {  	_ =	sfence  }
0xbe: {  	s30 =	sld [smem:$0x0];
	_ =	sdelay $0x2  }
0xbf: {  	s31 =	sshll.u32 s1, $0xD;
	s1 =	sshrl.u32 s1, $0x2  }
0xc0: {  	s3 =	sand.u32 $0x4000, s31;
	s1 =	sadd.s32 s1, s30  }
0xc1: {  	s0 =	sor.u32 s3, s0;
	s1 =	sshll.u32 s1, $0x11  }
0xc2: {  	s0 =	sor.u32 s1, s0  }
0xc3: {  	s0 =	sadd.s32 $0x8F2B, s0  }
0xc4: {  	[sflag:s0] =	ssyncadd.remote.s32 $0x1  }
0xc5: {  	_ =	sfence.sel $0xFFFF  }
0xc6: {  	[dreg:$0x0] =	wrdreg $0xFFFFFFFF;
	(pc) =	sbr.abs _section_cstart, $3  }
0xc7: {  	[dreg:$0x1] =	wrdreg $0xFFFFFFFF  }
0xc8: {  	_ =	task.clear_ibuf [dreg:s8], $0x2FFFF;
	_ =	strace $0x9FFFFFFF  }
0xc9: {  	(tm) =	ssettm $0x7FFFFFFF  }
tec
execute0_lowered:
.L_overlay_start_1:
0x0: {  	(tag) =	ssettag $0x1  }
0x1: {  	s1 =	srdreg.scid  }
0x2: {  	s0 =	rddreg [dreg:$0x0];
	s10 =	stileid.u32;
	s3 =	sand.u32 $0x1, s1  }
0x3: {  	s2 =	rddreg [dreg:$0x1];
	s4 =	sshll.u32 s10, $0x12;
	s6 =	sshll.u32 s3, $0x11  }
0x4: {  	s5 =	rddreg [dreg:$0x2];
	s1 =	simm.s32 $0x0;
	s4 =	sor.u32 s6, s4  }
0x5: {  	s8 =	smul.u32 $0x54000, s10;
	s3 =	ssub.s32 $0x2, s3;
	s7 =	sor.u32 $0x1F80, s4  }
0x6: {  	[smem:$0x7FF] =	sst s1;
	s14 =	sor.u32 $0x80, s4;
	s12 =	sadd.s32 s0, s7  }
0x7: {  	s9 =	sor.u32 $0xB00, s4;
	s15 =	sadd.s32 s0, s14;
	[dreg:$0x4] =	wrdreg s12  }
0x8: {  	s11 =	sshrl.u32 s3, $0x1;
	s16 =	sadd.s32 s0, s9;
	[dreg:$0x5] =	wrdreg s15  }
0x9: {  	s13 =	sshrl.u32 s8, $0x2;
	s17 =	sadd.s32 s2, s7;
	[dreg:$0x6] =	wrdreg s16  }
0xa: {  	s3 =	ssub.s32 s3, s11;
	s18 =	sadd.s32 s2, s14;
	[dreg:$0x7] =	wrdreg s17  }
0xb: {  	s19 =	sor.u32 $0x1580, s4;
	s20 =	sadd.s32 s2, s9;
	[dreg:$0x8] =	wrdreg s18  }
0xc: {  	s11 =	sadd.s32 s13, s5;
	s21 =	sadd.s32 s0, s19;
	[dreg:$0x9] =	wrdreg s20  }
0xd: {  	s22 =	sor.u32 $0x4080, s4;
	s5 =	sadd.s32 s2, s19;
	[dreg:$0xa] =	wrdreg s21  }
0xe: {  	s23 =	sadd.s32 s0, s22;
	[dreg:$0xb] =	wrdreg s5  }
0xf: {  	s24 =	sor.u32 $0x4B00, s4;
	s6 =	sadd.s32 s2, s22;
	[dreg:$0xc] =	wrdreg s23  }
0x10: {  	s26 =	sor.u32 $0x5580, s4;
	s25 =	sadd.s32 s0, s24;
	[dreg:$0xd] =	wrdreg s6  }
0x11: {  	s8 =	sor.u32 $0x8080, s4;
	s7 =	sadd.s32 s0, s26;
	[dreg:$0xe] =	wrdreg s25  }
0x12: {  	s9 =	sadd.s32 s0, s8;
	[dreg:$0x10] =	wrdreg s7  }
0x13: {  	s5 =	sadd.s32 s2, s24;
	[dreg:$0x12] =	wrdreg s9  }
0x14: {  	s14 =	sor.u32 $0x9580, s4;
	s6 =	sadd.s32 s2, s26;
	[dreg:$0xf] =	wrdreg s5  }
0x15: {  	s22 =	sor.u32 $0x10080, s4;
	s15 =	sadd.s32 s0, s14;
	[dreg:$0x11] =	wrdreg s6  }
0x16: {  	s23 =	sadd.s32 s0, s22;
	[dreg:$0x16] =	wrdreg s15  }
0x17: {  	s12 =	sor.u32 $0x8B00, s4;
	s5 =	sadd.s32 s2, s8;
	[dreg:$0x1e] =	wrdreg s23  }
0x18: {  	s30 =	simm.s32 $0x400;
	s13 =	sadd.s32 s0, s12;
	[dreg:$0x13] =	wrdreg s5  }
0x19: {  	s16 =	sor.u32 $0xC080, s4;
	s6 =	sadd.s32 s2, s12;
	[dreg:$0x14] =	wrdreg s13  }
0x1a: {  	s18 =	sor.u32 $0xCB00, s4;
	s17 =	sadd.s32 s0, s16;
	[dreg:$0x15] =	wrdreg s6  }
0x1b: {  	s20 =	sor.u32 $0xD580, s4;
	s19 =	sadd.s32 s0, s18;
	[dreg:$0x18] =	wrdreg s17  }
0x1c: {  	s24 =	sor.u32 $0x10B00, s4;
	s21 =	sadd.s32 s0, s20;
	[dreg:$0x1a] =	wrdreg s19  }
0x1d: {  	s26 =	sor.u32 $0x11580, s4;
	s25 =	sadd.s32 s0, s24;
	[dreg:$0x1c] =	wrdreg s21  }
0x1e: {  	s31 =	simm.s32 $0x10000;
	s7 =	sadd.s32 s0, s26;
	[smem:$0x7E9] =	sst s25  }
0x1f: {  	s29 =	sadd.s32 $0xA800, s11;
	s5 =	sadd.s32 s2, s14;
	[smem:$0x7EB] =	sst s7  }
0x20: {  	s8 =	sor.u32 $0x14080, s4;
	s6 =	sadd.s32 s2, s16;
	[dreg:$0x17] =	wrdreg s5  }
0x21: {  	s12 =	sor.u32 $0x14B00, s4;
	s9 =	sadd.s32 s0, s8;
	[dreg:$0x19] =	wrdreg s6  }
0x22: {  	s13 =	sadd.s32 s0, s12;
	s14 =	sor.u32 $0x15580, s4;
	[smem:$0x7ED] =	sst s9  }
0x23: {  	s16 =	sor.u32 $0x18080, s4;
	s5 =	sadd.s32 s2, s18;
	[smem:$0x7EF] =	sst s13  }
0x24: {  	s7 =	simm.s32 $0x5;
	s6 =	sadd.s32 s2, s20;
	[dreg:$0x1b] =	wrdreg s5  }
0x25: {  	s15 =	sadd.s32 s0, s14;
	s17 =	sadd.s32 s0, s16;
	[dreg:$0x1d] =	wrdreg s6  }
0x26: {  	s18 =	sor.u32 $0x18B00, s4;
	s20 =	sor.u32 $0x19580, s4;
	[smem:$0x7F1] =	sst s15  }
0x27: {  	s9 =	simm.s32 $0x1;
	s5 =	sadd.s32 s2, s22;
	[smem:$0x7F3] =	sst s17  }
0x28: {  	s13 =	simm.s32 $0x7;
	s6 =	sadd.s32 s2, s24;
	[dreg:$0x1f] =	wrdreg s5  }
0x29: {  	s19 =	sadd.s32 s0, s18;
	s21 =	sadd.s32 s0, s20;
	[smem:$0x7EA] =	sst s6  }
0x2a: {  	s22 =	sor.u32 $0x1C080, s4;
	s24 =	sor.u32 $0x1CB00, s4;
	[smem:$0x7F5] =	sst s19  }
0x2b: {  	s5 =	sadd.s32 s2, s26;
	s6 =	sadd.s32 s2, s8;
	[smem:$0x7F7] =	sst s21  }
0x2c: {  	s23 =	sadd.s32 s0, s22;
	s25 =	sadd.s32 s0, s24;
	[smem:$0x7EC] =	sst s5  }
0x2d: {  	s26 =	sadd.s32 s0, s4;
	s21 =	smov.u32 s11;
	[smem:$0x7EE] =	sst s6  }
0x2e: {  	s8 =	simm.s32 $0x6;
	s11 =	simm.s32 $0x3;
	[smem:$0x7F9] =	sst s23  }
0x2f: {  	s5 =	sadd.s32 s2, s12;
	s6 =	sadd.s32 s2, s14;
	[smem:$0x7FB] =	sst s25  }
0x30: {  	[smem:$0x7FD] =	sst s26;
	s25 =	smax.u32 s3, $0x1;
	s26 =	sshll.u32 s10, $0x6  }
0x31: {  	s10 =	simm.s32 $0x2;
	s12 =	simm.s32 $0xA0;
	[smem:$0x7F0] =	sst s5  }
0x32: {  	s3 =	simm.s32 $0x4;
	[smem:$0x7F2] =	sst s6;
	s5 =	sadd.s32 s2, s16  }
0x33: {  	s14 =	simm.s32 $0x8;
	s6 =	sadd.s32 s2, s18;
	[smem:$0x7F4] =	sst s5  }
0x34: {  	s28 =	sor.u32 $0x1C01, s26;
	[smem:$0x7F6] =	sst s6;
	s5 =	sadd.s32 s2, s20  }
0x35: {  	s6 =	sadd.s32 s2, s22;
	s22 =	sadd.s32 s2, s4;
	[smem:$0x7F8] =	sst s5  }
0x36: {  	v0 =	vlaneseq.u32;
	s4 =	sor.u32 $0x1D580, s4;
	[smem:$0x7FA] =	sst s6;
	s5 =	sadd.s32 s2, s24  }
0x37: {  	v0 =	vmul.u32 $0xFFFFFFFF, v0;
	s23 =	sadd.s32 s0, s4;
	s24 =	sadd.s32 s2, s4;
	s0 =	simm.s32 $0x15000  }
0x38: {  	s2 =	simm.s32 $0x19000;
	s4 =	simm.s32 $0xA8;
	[smem:$0x7FC] =	sst s5  }
0x39: {  	v0 =	vadd.s32 $0xF, v0;
	s6 =	simm.s32 $0x2000;
	s5 =	simm.s32 $0xA80;
	_ =	strace $0x80000047  }
.LBB2_1:
0x3a: {  	s15 =	sld [smem:$0x7FD];
	_ =	sdelay $0x1  }
0x3b: {  	s19 =	rddreg [dreg:$0x4]  }
0x3c: {  	[tilespmem:s0], [sflag:$0x5] =	stream.strided.gather [hbm4b:s15+s30], $0x4000, s31, s30, $0x38;
	[tilespmem:$0x1D000] =	vst v63  }
0x3d: {  	s17 =	sshrl.u32 s21, $0x3;
	s20 =	rddreg [dreg:$0x5]  }
0x3e: {  	[tilespmem:s2], [sflag:$0x6] =	stream.strided.gather [hbm4b:s19+s30], $0x4000, s31, s30, $0x38;
	[tilespmem:$0x1D000] =	vst v63  }
0x3f: {  	[spmem:s17@s5], [sflag:s28] =	dma.strided [hbm:s20@s6], $0x1500, s4, $0x10   }
0x40: {  	s16 =	sor.u32 $0x1C02, s26;
	s15 =	sshrl.u32 s29, $0x3;
	s18 =	rddreg [dreg:$0x6]  }
0x41: {  	[spmem:s15@s5], [sflag:s16] =	dma.strided [hbm:s18@s6], $0x1500, s4, $0x10   }
0x42: {  	_ =	swait.ge [sflag:s7], $0x4000  }
0x43: {  	[sflag:s7] =	ssyncset.done $0x0  }
0x44: {  	[sflag:s7] =	ssyncadd.s32 $0xFFFFC000  }
0x45: {  	_ =	swait.ge [sflag:s8], $0x4000  }
0x46: {  	[sflag:s8] =	ssyncset.done $0x0  }
0x47: {  	s18 =	simm.s32 $0x0;
	[sflag:s8] =	ssyncadd.s32 $0xFFFFC000  }
0x48: {  	v6 =	vld [tilespmem:s18+$0x15030]  }
0x49: {  	v7 =	vld [tilespmem:s18+$0x19040]  }
0x4a: {  	v2 =	vld [tilespmem:s18+$0x19070]  }
0x4b: {  	v5 =	vld [tilespmem:s18+$0x15000]  }
0x4c: {  	v3 =	vld [tilespmem:s18+$0x15020]  }
0x4d: {  	v4 =	vld [tilespmem:s18+$0x19050]  }
0x4e: {  	s19 =	simm.s32 $0x200;
	v1 =	vld [tilespmem:s18+$0x15010];
	v7 =	vperm.xlane v7, v0;
	v6 =	vperm.xlane v6, v0  }
.LBB2_2:
0x4f: {  	p0 =	sne.s32 s19, $0xFE00;
	v8 =	vld [tilespmem:s18+$0x19060];
	s20 =	smov.u32 s19;
	s19 =	sadd.s32 $0x200, s19  }
0x50: {  	s20 =	sshra.s32 s20, $0x2;
	v5 =	vperm.xlane v5, v0;
	[tilespmem:s18+$0x15030] =	vst v7  }
0x51: {  	v7 =	vperm.xlane v2, v0;
	v9 =	vld [tilespmem:s20+$0x15030];
	v10 =	vperm.xlane v3, v0;
	[tilespmem:s18+$0x19040] =	vst v6  }
0x52: {  	v6 =	vld [tilespmem:s20+$0x19040];
	[tilespmem:s18+$0x19070] =	vst v5;
	v3 =	vperm.xlane v4, v0  }
.Ltmp0:
0x53: {  	v2 =	vld [tilespmem:s20+$0x19070];
	[tilespmem:s18+$0x15000] =	vst v7;
	(pc) =	sbr.rel @p0 .LBB2_2-.Ltmp0, $4  }
0x54: {  	v5 =	vld [tilespmem:s20+$0x15000];
	v7 =	vperm.xlane v8, v0;
	v8 =	vperm.xlane v1, v0;
	[tilespmem:s18+$0x15020] =	vst v3  }
0x55: {  	v3 =	vld [tilespmem:s20+$0x15020];
	[tilespmem:s18+$0x19050] =	vst v10  }
0x56: {  	v4 =	vld [tilespmem:s20+$0x19050];
	[tilespmem:s18+$0x15010] =	vst v7  }
0x57: {  	v1 =	vld [tilespmem:s20+$0x15010];
	v7 =	vperm.xlane v6, v0;
	v6 =	vperm.xlane v9, v0;
	[tilespmem:s18+$0x19060] =	vst v8;
	s18 =	smov.u32 s20  }
0x58: {  	_ = 	snop  }
0x59: {  	v8 =	vld [tilespmem:s18+$0x19060];
	v2 =	vperm.xlane v2, v0;
	[tilespmem:s18+$0x15030] =	vst v7  }
0x5a: {  	v5 =	vperm.xlane v5, v0;
	[tilespmem:s18+$0x19040] =	vst v6  }
0x5b: {  	v3 =	vperm.xlane v3, v0;
	[tilespmem:s18+$0x15000] =	vst v2  }
0x5c: {  	[tilespmem:s18+$0x19070] =	vst v5;
	v4 =	vperm.xlane v4, v0  }
0x5d: {  	v1 =	vperm.xlane v1, v0;
	[tilespmem:s18+$0x19050] =	vst v3  }
0x5e: {  	v2 =	vperm.xlane v8, v0;
	[tilespmem:s18+$0x15020] =	vst v4  }
0x5f: {  	[tilespmem:s18+$0x19060] =	vst v1  }
0x60: {  	[tilespmem:s18+$0x15010] =	vst v2  }
0x61: {  	[hbm4b:s22+s30] =	stream.strided.scatter [tilespmem:s0], [sflag:$0x7], $0x4000, s31, s30, $0x38;
	[tilespmem:$0x1D000] =	vst v63  }
0x62: {  	s19 =	rddreg [dreg:$0x7]  }
0x63: {  	[hbm4b:s19+s30] =	stream.strided.scatter [tilespmem:s2], [sflag:$0x8], $0x4000, s31, s30, $0x38;
	[tilespmem:$0x1D000] =	vst v63  }
0x64: {  	_ =	swait.ge [sflag:s9], $0x1500  }
0x65: {  	[sflag:s9] =	ssyncset.done $0x0  }
0x66: {  	s19 =	sor.u32 $0x1C03, s26;
	s20 =	rddreg [dreg:$0x8];
	[sflag:s9] =	ssyncadd.s32 $0xFFFFEB00  }
0x67: {  	[hbm:s20@s6], [sflag:s19] =	dma.strided [spmem:s17@s5], $0x1500, s4, $0x10   }
0x68: {  	_ =	swait.ge [sflag:s10], $0x1500  }
0x69: {  	[sflag:s10] =	ssyncset.done $0x0  }
0x6a: {  	s18 =	sor.u32 $0x1C04, s26;
	s20 =	rddreg [dreg:$0x9];
	[sflag:s10] =	ssyncadd.s32 $0xFFFFEB00  }
0x6b: {  	[hbm:s20@s6], [sflag:s18] =	dma.strided [spmem:s15@s5], $0x1500, s4, $0x10   }
0x6c: {  	_ =	swait.ge [sflag:s11], $0x1500  }
0x6d: {  	[sflag:s11] =	ssyncset.done $0x0  }
0x6e: {  	s20 =	rddreg [dreg:$0xa];
	[sflag:s11] =	ssyncadd.s32 $0xFFFFEB00  }
0x6f: {  	[spmem:s17@s5], [sflag:s28] =	dma.strided [hbm:s20@s6], $0x1400, s12, $0x10   }
0x70: {  	_ =	swait.ge [sflag:s9], $0x1400  }
0x71: {  	[sflag:s9] =	ssyncset.done $0x0  }
0x72: {  	s20 =	rddreg [dreg:$0xb];
	[sflag:s9] =	ssyncadd.s32 $0xFFFFEC00  }
0x73: {  	[hbm:s20@s6], [sflag:s19] =	dma.strided [spmem:s17@s5], $0x1400, s12, $0x10   }
0x74: {  	_ =	swait.ge [sflag:s3], $0x1500  }
0x75: {  	[sflag:s3] =	ssyncset.done $0x0  }
0x76: {  	s20 =	rddreg [dreg:$0xc];
	[sflag:s3] =	ssyncadd.s32 $0xFFFFEB00  }
0x77: {  	[spmem:s15@s5], [sflag:s16] =	dma.strided [hbm:s20@s6], $0x1500, s4, $0x10   }
0x78: {  	_ =	swait.ge [sflag:s10], $0x1500  }
0x79: {  	[sflag:s10] =	ssyncset.done $0x0  }
0x7a: {  	s20 =	rddreg [dreg:$0xd];
	[sflag:s10] =	ssyncadd.s32 $0xFFFFEB00  }
0x7b: {  	[hbm:s20@s6], [sflag:s18] =	dma.strided [spmem:s15@s5], $0x1500, s4, $0x10   }
0x7c: {  	_ =	swait.ge [sflag:s11], $0x1400  }
0x7d: {  	[sflag:s11] =	ssyncset.done $0x0  }
0x7e: {  	s20 =	rddreg [dreg:$0xe];
	[sflag:s11] =	ssyncadd.s32 $0xFFFFEC00  }
0x7f: {  	[spmem:s17@s5], [sflag:s28] =	dma.strided [hbm:s20@s6], $0x1500, s4, $0x10   }
0x80: {  	_ =	swait.ge [sflag:s9], $0x1500  }
0x81: {  	[sflag:s9] =	ssyncset.done $0x0  }
0x82: {  	s20 =	rddreg [dreg:$0xf];
	[sflag:s9] =	ssyncadd.s32 $0xFFFFEB00  }
0x83: {  	[hbm:s20@s6], [sflag:s19] =	dma.strided [spmem:s17@s5], $0x1500, s4, $0x10   }
0x84: {  	_ =	swait.ge [sflag:s3], $0x1500  }
0x85: {  	[sflag:s3] =	ssyncset.done $0x0  }
0x86: {  	s20 =	rddreg [dreg:$0x10];
	[sflag:s3] =	ssyncadd.s32 $0xFFFFEB00  }
0x87: {  	[spmem:s15@s5], [sflag:s16] =	dma.strided [hbm:s20@s6], $0x1400, s12, $0x10   }
0x88: {  	_ =	swait.ge [sflag:s10], $0x1400  }
0x89: {  	[sflag:s10] =	ssyncset.done $0x0  }
0x8a: {  	s20 =	rddreg [dreg:$0x11];
	[sflag:s10] =	ssyncadd.s32 $0xFFFFEC00  }
0x8b: {  	[hbm:s20@s6], [sflag:s18] =	dma.strided [spmem:s15@s5], $0x1400, s12, $0x10   }
0x8c: {  	_ =	swait.ge [sflag:s11], $0x1500  }
0x8d: {  	[sflag:s11] =	ssyncset.done $0x0  }
0x8e: {  	s20 =	rddreg [dreg:$0x12];
	[sflag:s11] =	ssyncadd.s32 $0xFFFFEB00  }
0x8f: {  	[spmem:s17@s5], [sflag:s28] =	dma.strided [hbm:s20@s6], $0x1500, s4, $0x10   }
0x90: {  	_ =	swait.ge [sflag:s9], $0x1500  }
0x91: {  	[sflag:s9] =	ssyncset.done $0x0  }
0x92: {  	s20 =	rddreg [dreg:$0x13];
	[sflag:s9] =	ssyncadd.s32 $0xFFFFEB00  }
0x93: {  	[hbm:s20@s6], [sflag:s19] =	dma.strided [spmem:s17@s5], $0x1500, s4, $0x10   }
0x94: {  	_ =	swait.ge [sflag:s3], $0x1400  }
0x95: {  	[sflag:s3] =	ssyncset.done $0x0  }
0x96: {  	s20 =	rddreg [dreg:$0x14];
	[sflag:s3] =	ssyncadd.s32 $0xFFFFEC00  }
0x97: {  	[spmem:s15@s5], [sflag:s16] =	dma.strided [hbm:s20@s6], $0x1500, s4, $0x10   }
0x98: {  	_ =	swait.ge [sflag:s10], $0x1500  }
0x99: {  	[sflag:s10] =	ssyncset.done $0x0  }
0x9a: {  	s20 =	rddreg [dreg:$0x15];
	[sflag:s10] =	ssyncadd.s32 $0xFFFFEB00  }
0x9b: {  	[hbm:s20@s6], [sflag:s18] =	dma.strided [spmem:s15@s5], $0x1500, s4, $0x10   }
0x9c: {  	_ =	swait.ge [sflag:s11], $0x1500  }
0x9d: {  	[sflag:s11] =	ssyncset.done $0x0  }
0x9e: {  	s20 =	rddreg [dreg:$0x16];
	[sflag:s11] =	ssyncadd.s32 $0xFFFFEB00  }
0x9f: {  	[spmem:s17@s5], [sflag:s28] =	dma.strided [hbm:s20@s6], $0x1400, s12, $0x10   }
0xa0: {  	_ =	swait.ge [sflag:s9], $0x1400  }
0xa1: {  	[sflag:s9] =	ssyncset.done $0x0  }
0xa2: {  	s20 =	rddreg [dreg:$0x17];
	[sflag:s9] =	ssyncadd.s32 $0xFFFFEC00  }
0xa3: {  	[hbm:s20@s6], [sflag:s19] =	dma.strided [spmem:s17@s5], $0x1400, s12, $0x10   }
0xa4: {  	_ =	swait.ge [sflag:s3], $0x1500  }
0xa5: {  	[sflag:s3] =	ssyncset.done $0x0  }
0xa6: {  	s20 =	rddreg [dreg:$0x18];
	[sflag:s3] =	ssyncadd.s32 $0xFFFFEB00  }
0xa7: {  	[spmem:s15@s5], [sflag:s16] =	dma.strided [hbm:s20@s6], $0x1500, s4, $0x10   }
0xa8: {  	_ =	swait.ge [sflag:s10], $0x1500  }
0xa9: {  	[sflag:s10] =	ssyncset.done $0x0  }
0xaa: {  	s20 =	rddreg [dreg:$0x19];
	[sflag:s10] =	ssyncadd.s32 $0xFFFFEB00  }
0xab: {  	[hbm:s20@s6], [sflag:s18] =	dma.strided [spmem:s15@s5], $0x1500, s4, $0x10   }
0xac: {  	_ =	swait.ge [sflag:s11], $0x1400  }
0xad: {  	[sflag:s11] =	ssyncset.done $0x0  }
0xae: {  	s20 =	rddreg [dreg:$0x1a];
	[sflag:s11] =	ssyncadd.s32 $0xFFFFEC00  }
0xaf: {  	[spmem:s17@s5], [sflag:s28] =	dma.strided [hbm:s20@s6], $0x1500, s4, $0x10   }
0xb0: {  	_ =	swait.ge [sflag:s9], $0x1500  }
0xb1: {  	[sflag:s9] =	ssyncset.done $0x0  }
0xb2: {  	s20 =	rddreg [dreg:$0x1b];
	[sflag:s9] =	ssyncadd.s32 $0xFFFFEB00  }
0xb3: {  	[hbm:s20@s6], [sflag:s19] =	dma.strided [spmem:s17@s5], $0x1500, s4, $0x10   }
0xb4: {  	_ =	swait.ge [sflag:s3], $0x1500  }
0xb5: {  	[sflag:s3] =	ssyncset.done $0x0  }
0xb6: {  	s20 =	rddreg [dreg:$0x1c];
	[sflag:s3] =	ssyncadd.s32 $0xFFFFEB00  }
0xb7: {  	[spmem:s15@s5], [sflag:s16] =	dma.strided [hbm:s20@s6], $0x1400, s12, $0x10   }
0xb8: {  	_ =	swait.ge [sflag:s10], $0x1400  }
0xb9: {  	[sflag:s10] =	ssyncset.done $0x0  }
0xba: {  	s20 =	rddreg [dreg:$0x1d];
	[sflag:s10] =	ssyncadd.s32 $0xFFFFEC00  }
0xbb: {  	[hbm:s20@s6], [sflag:s18] =	dma.strided [spmem:s15@s5], $0x1400, s12, $0x10   }
0xbc: {  	_ =	swait.ge [sflag:s11], $0x1500  }
0xbd: {  	[sflag:s11] =	ssyncset.done $0x0  }
0xbe: {  	s20 =	rddreg [dreg:$0x1e];
	[sflag:s11] =	ssyncadd.s32 $0xFFFFEB00  }
0xbf: {  	[spmem:s17@s5], [sflag:s28] =	dma.strided [hbm:s20@s6], $0x1500, s4, $0x10   }
0xc0: {  	_ =	swait.ge [sflag:s9], $0x1500  }
0xc1: {  	[sflag:s9] =	ssyncset.done $0x0  }
0xc2: {  	s20 =	rddreg [dreg:$0x1f];
	[sflag:s9] =	ssyncadd.s32 $0xFFFFEB00  }
0xc3: {  	[hbm:s20@s6], [sflag:s19] =	dma.strided [spmem:s17@s5], $0x1500, s4, $0x10   }
0xc4: {  	_ =	swait.ge [sflag:s3], $0x1400  }
0xc5: {  	s20 =	sld [smem:$0x7E9]  }
0xc6: {  	[sflag:s3] =	ssyncset.done $0x0  }
0xc7: {  	[sflag:s3] =	ssyncadd.s32 $0xFFFFEC00  }
0xc8: {  	[spmem:s15@s5], [sflag:s16] =	dma.strided [hbm:s20@s6], $0x1500, s4, $0x10   }
0xc9: {  	_ =	swait.ge [sflag:s10], $0x1500  }
0xca: {  	s20 =	sld [smem:$0x7EA]  }
0xcb: {  	[sflag:s10] =	ssyncset.done $0x0  }
0xcc: {  	[sflag:s10] =	ssyncadd.s32 $0xFFFFEB00  }
0xcd: {  	[hbm:s20@s6], [sflag:s18] =	dma.strided [spmem:s15@s5], $0x1500, s4, $0x10   }
0xce: {  	_ =	swait.ge [sflag:s11], $0x1500  }
0xcf: {  	s20 =	sld [smem:$0x7EB]  }
0xd0: {  	[sflag:s11] =	ssyncset.done $0x0  }
0xd1: {  	[sflag:s11] =	ssyncadd.s32 $0xFFFFEB00  }
0xd2: {  	[spmem:s17@s5], [sflag:s28] =	dma.strided [hbm:s20@s6], $0x1400, s12, $0x10   }
0xd3: {  	_ =	swait.ge [sflag:s9], $0x1400  }
0xd4: {  	s20 =	sld [smem:$0x7EC]  }
0xd5: {  	[sflag:s9] =	ssyncset.done $0x0  }
0xd6: {  	[sflag:s9] =	ssyncadd.s32 $0xFFFFEC00  }
0xd7: {  	[hbm:s20@s6], [sflag:s19] =	dma.strided [spmem:s17@s5], $0x1400, s12, $0x10   }
0xd8: {  	_ =	swait.ge [sflag:s3], $0x1500  }
0xd9: {  	s20 =	sld [smem:$0x7ED]  }
0xda: {  	[sflag:s3] =	ssyncset.done $0x0  }
0xdb: {  	[sflag:s3] =	ssyncadd.s32 $0xFFFFEB00  }
0xdc: {  	[spmem:s15@s5], [sflag:s16] =	dma.strided [hbm:s20@s6], $0x1500, s4, $0x10   }
0xdd: {  	_ =	swait.ge [sflag:s10], $0x1500  }
0xde: {  	s20 =	sld [smem:$0x7EE]  }
0xdf: {  	[sflag:s10] =	ssyncset.done $0x0  }
0xe0: {  	[sflag:s10] =	ssyncadd.s32 $0xFFFFEB00  }
0xe1: {  	[hbm:s20@s6], [sflag:s18] =	dma.strided [spmem:s15@s5], $0x1500, s4, $0x10   }
0xe2: {  	_ =	swait.ge [sflag:s11], $0x1400  }
0xe3: {  	s20 =	sld [smem:$0x7EF]  }
0xe4: {  	[sflag:s11] =	ssyncset.done $0x0  }
0xe5: {  	[sflag:s11] =	ssyncadd.s32 $0xFFFFEC00  }
0xe6: {  	[spmem:s17@s5], [sflag:s28] =	dma.strided [hbm:s20@s6], $0x1500, s4, $0x10   }
0xe7: {  	_ =	swait.ge [sflag:s9], $0x1500  }
0xe8: {  	s20 =	sld [smem:$0x7F0]  }
0xe9: {  	[sflag:s9] =	ssyncset.done $0x0  }
0xea: {  	[sflag:s9] =	ssyncadd.s32 $0xFFFFEB00  }
0xeb: {  	[hbm:s20@s6], [sflag:s19] =	dma.strided [spmem:s17@s5], $0x1500, s4, $0x10   }
0xec: {  	_ =	swait.ge [sflag:s3], $0x1500  }
0xed: {  	s20 =	sld [smem:$0x7F1]  }
0xee: {  	[sflag:s3] =	ssyncset.done $0x0  }
0xef: {  	[sflag:s3] =	ssyncadd.s32 $0xFFFFEB00  }
0xf0: {  	[spmem:s15@s5], [sflag:s16] =	dma.strided [hbm:s20@s6], $0x1400, s12, $0x10   }
0xf1: {  	_ =	swait.ge [sflag:s10], $0x1400  }
0xf2: {  	s20 =	sld [smem:$0x7F2]  }
0xf3: {  	[sflag:s10] =	ssyncset.done $0x0  }
0xf4: {  	[sflag:s10] =	ssyncadd.s32 $0xFFFFEC00  }
0xf5: {  	[hbm:s20@s6], [sflag:s18] =	dma.strided [spmem:s15@s5], $0x1400, s12, $0x10   }
0xf6: {  	_ =	swait.ge [sflag:s11], $0x1500  }
0xf7: {  	s20 =	sld [smem:$0x7F3]  }
0xf8: {  	[sflag:s11] =	ssyncset.done $0x0  }
0xf9: {  	[sflag:s11] =	ssyncadd.s32 $0xFFFFEB00  }
0xfa: {  	[spmem:s17@s5], [sflag:s28] =	dma.strided [hbm:s20@s6], $0x1500, s4, $0x10   }
0xfb: {  	_ =	swait.ge [sflag:s9], $0x1500  }
0xfc: {  	s20 =	sld [smem:$0x7F4]  }
0xfd: {  	[sflag:s9] =	ssyncset.done $0x0  }
0xfe: {  	[sflag:s9] =	ssyncadd.s32 $0xFFFFEB00  }
0xff: {  	[hbm:s20@s6], [sflag:s19] =	dma.strided [spmem:s17@s5], $0x1500, s4, $0x10   }
0x100: {  	_ =	swait.ge [sflag:s3], $0x1400  }
0x101: {  	s20 =	sld [smem:$0x7F5]  }
0x102: {  	[sflag:s3] =	ssyncset.done $0x0  }
0x103: {  	[sflag:s3] =	ssyncadd.s32 $0xFFFFEC00  }
0x104: {  	[spmem:s15@s5], [sflag:s16] =	dma.strided [hbm:s20@s6], $0x1500, s4, $0x10   }
0x105: {  	_ =	swait.ge [sflag:s10], $0x1500  }
0x106: {  	s20 =	sld [smem:$0x7F6]  }
0x107: {  	[sflag:s10] =	ssyncset.done $0x0  }
0x108: {  	[sflag:s10] =	ssyncadd.s32 $0xFFFFEB00  }
0x109: {  	[hbm:s20@s6], [sflag:s18] =	dma.strided [spmem:s15@s5], $0x1500, s4, $0x10   }
0x10a: {  	_ =	swait.ge [sflag:s11], $0x1500  }
0x10b: {  	s20 =	sld [smem:$0x7F7]  }
0x10c: {  	[sflag:s11] =	ssyncset.done $0x0  }
0x10d: {  	[sflag:s11] =	ssyncadd.s32 $0xFFFFEB00  }
0x10e: {  	[spmem:s17@s5], [sflag:s28] =	dma.strided [hbm:s20@s6], $0x1400, s12, $0x10   }
0x10f: {  	_ =	swait.ge [sflag:s9], $0x1400  }
0x110: {  	s20 =	sld [smem:$0x7F8]  }
0x111: {  	[sflag:s9] =	ssyncset.done $0x0  }
0x112: {  	[sflag:s9] =	ssyncadd.s32 $0xFFFFEC00  }
0x113: {  	[hbm:s20@s6], [sflag:s19] =	dma.strided [spmem:s17@s5], $0x1400, s12, $0x10   }
0x114: {  	_ =	swait.ge [sflag:s3], $0x1500  }
0x115: {  	s20 =	sld [smem:$0x7F9]  }
0x116: {  	[sflag:s3] =	ssyncset.done $0x0  }
0x117: {  	[sflag:s3] =	ssyncadd.s32 $0xFFFFEB00  }
0x118: {  	[spmem:s15@s5], [sflag:s16] =	dma.strided [hbm:s20@s6], $0x1500, s4, $0x10   }
0x119: {  	_ =	swait.ge [sflag:s10], $0x1500  }
0x11a: {  	s20 =	sld [smem:$0x7FA]  }
0x11b: {  	[sflag:s10] =	ssyncset.done $0x0  }
0x11c: {  	[sflag:s10] =	ssyncadd.s32 $0xFFFFEB00  }
0x11d: {  	[hbm:s20@s6], [sflag:s18] =	dma.strided [spmem:s15@s5], $0x1500, s4, $0x10   }
0x11e: {  	_ =	swait.ge [sflag:s11], $0x1400  }
0x11f: {  	s20 =	sld [smem:$0x7FB]  }
0x120: {  	[sflag:s11] =	ssyncset.done $0x0  }
0x121: {  	[sflag:s11] =	ssyncadd.s32 $0xFFFFEC00  }
0x122: {  	[spmem:s17@s5], [sflag:s28] =	dma.strided [hbm:s20@s6], $0x1500, s4, $0x10   }
0x123: {  	_ =	swait.ge [sflag:s9], $0x1500  }
0x124: {  	s20 =	sld [smem:$0x7FC]  }
0x125: {  	[sflag:s9] =	ssyncset.done $0x0  }
0x126: {  	[sflag:s9] =	ssyncadd.s32 $0xFFFFEB00  }
0x127: {  	[hbm:s20@s6], [sflag:s19] =	dma.strided [spmem:s17@s5], $0x1500, s4, $0x10   }
0x128: {  	_ =	swait.ge [sflag:s3], $0x1500  }
0x129: {  	[sflag:s3] =	ssyncset.done $0x0  }
0x12a: {  	[sflag:s3] =	ssyncadd.s32 $0xFFFFEB00  }
0x12b: {  	[spmem:s15@s5], [sflag:s16] =	dma.strided [hbm:s23@s6], $0x1400, s12, $0x10   }
0x12c: {  	_ =	swait.ge [sflag:s10], $0x1400  }
0x12d: {  	[sflag:s10] =	ssyncset.done $0x0  }
0x12e: {  	[sflag:s10] =	ssyncadd.s32 $0xFFFFEC00  }
0x12f: {  	[hbm:s24@s6], [sflag:s18] =	dma.strided [spmem:s15@s5], $0x1400, s12, $0x10   }
0x130: {  	_ =	swait.ge [sflag:s11], $0x1500  }
0x131: {  	[sflag:s11] =	ssyncset.done $0x0  }
0x132: {  	[sflag:s11] =	ssyncadd.s32 $0xFFFFEB00  }
0x133: {  	_ =	swait.ge [sflag:s3], $0x1400  }
0x134: {  	[sflag:s3] =	ssyncset.done $0x0  }
0x135: {  	s1 =	sadd.s32 $0x1, s1;
	[sflag:s3] =	ssyncadd.s32 $0xFFFFEC00  }
0x136: {  	p0 =	sne.s32 s1, s25;
	_ =	swait.ge [sflag:s13], $0x4000  }
.Ltmp1:
0x137: {  	[sflag:s13] =	ssyncset.done $0x0;
	(pc) =	sbr.rel @p0 .LBB2_1-.Ltmp1, $4  }
0x138: {  	[sflag:s13] =	ssyncadd.s32 $0xFFFFC000  }
0x139: {  	_ =	swait.ge [sflag:s14], $0x4000  }
0x13a: {  	[sflag:s14] =	ssyncset.done $0x0  }
0x13b: {  	[sflag:s14] =	ssyncadd.s32 $0xFFFFC000  }
0x13c: {  	_ =	sfence.sel $0x180000  }
0x13d: {  	[bflag:$0x0] =	sbarrier.arrive $0xFFFF  }
0x13e: {  	_ =	strace $0x90000047  }
0x13f: {  	s0 =	stileid.u32;
	[bflag:$0x2] =	sbarrier.arrive $0xFFFF  }
0x140: {  	p0 =	sne.s32 s0, $0x0;
	s0 =	rddreg [dreg:$0x3]  }
0x141: {  	s0 =	sadd.s32 @!p0 $0x100000, s0  }
0x142: {  	[sflag:s0] =	ssyncadd.tile.s32 @!p0 $0x1;
	_ =	shalt  }
.Lfunc_end2:
_tile_overlayer_lowered:
.L_overlay_start_2:
0x143: {  	(tag) =	ssettag $0x2  }
0x144: {  	s0 =	rddreg [dreg:$0x0];
	s2 =	stileid.u32  }
0x145: {  	s1 =	rddreg [dreg:$0x1];
	p0 =	sne.s32 s2, $0x0  }
0x146: {  	s3 =	rddreg [dreg:$0x2];
	[bflag:$0x3] =	sbarrier.arrive $0xFFFF;
	s2 =	simm.s32 @!p0 $0x1C09  }
0x147: {  	[timem:s3], [sflag:s2] =	dma.local @!p0 [hbm:s0], s1  }
0x148: {  	s0 =	simm.s32 @!p0 $0x9  }
0x149: {  	_ =	swait.ge @!p0 [sflag:s0], s1  }
0x14a: {  	s1 =	ssub.s32 @!p0 $0x0, s1;
	[sflag:s0] =	ssyncset.done @!p0 $0x0  }
0x14b: {  	[sflag:s0] =	ssyncadd.s32 @!p0 s1  }
0x14c: {  	[bflag:$0x3] =	sbarrier.arrive $0xFFFF  }
0x14d: {  	_ =	shalt  }

</sc_bundles>
